<compile_context>
chip_gen: v7x
topology: tpu7x:2x2x1
jax: 0.10.2.dev20260603
libtpu: 0.0.44.dev20260713+nightly
codegen_flags: <defaults>
</compile_context>

<pallas_src>
import functools

import jax
import jax.numpy as jnp
from jax import lax
from jax.experimental import pallas as pl
from jax.experimental.pallas import tpu as pltpu
from jax.experimental.pallas import tpu_sc as plsc

N_NODES = 10000
D = 128
N_TYPES = 12
NC = 1
NS = 16
NW = NC * NS
CHUNK = 128
N_PAD = 10240
ROWS_PER_SUB = N_PAD // NS
ZCHUNKS = ROWS_PER_SUB // CHUNK


def _build_sc_aggregate(e_pad: int):
  e_per_w = e_pad // NW
  nchunk = e_per_w // CHUNK
  mesh = plsc.VectorSubcoreMesh(
      core_axis_name="c", subcore_axis_name="s", num_cores=NC, num_subcores=NS
  )

  @functools.partial(
      pl.kernel,
      out_type=(
          jax.ShapeDtypeStruct((NC, N_PAD, D), jnp.float32),
          jax.ShapeDtypeStruct((NW, N_PAD), jnp.float32),
      ),
      mesh=mesh,
      compiler_params=pltpu.CompilerParams(needs_layout_passes=False),
      scratch_types=[
          pltpu.VMEM_SHARED((N_PAD, D), jnp.float32),
          pltpu.VMEM(((nchunk + 1) // 2, 2, CHUNK), jnp.int32),
          pltpu.VMEM((ZCHUNKS, CHUNK), jnp.int32),
          pltpu.VMEM((CHUNK, D), jnp.float32),
          pltpu.VMEM((N_PAD,), jnp.float32),
      ],
  )
  def sc_aggregate(feat_hbm, idx_hbm, ridx_hbm, acc_out, cnt_out,
                   acc_sh, idx_v, ridx_v, rows_v, cnt_v):
    c = lax.axis_index("c")
    s = lax.axis_index("s")
    w = c * NS + s
    base = s * ROWS_PER_SUB

    zero16 = jnp.zeros((16,), jnp.float32)
    one16 = jnp.ones((16,), jnp.float32)

    def zrow(r, carry):
      for cc in range(D // 16):
        rows_v[r, pl.ds(cc * 16, 16)] = zero16
      return carry

    lax.fori_loop(0, CHUNK, zrow, 0)

    def zcnt(r, carry):
      cnt_v[pl.ds(r * 16, 16)] = zero16
      return carry

    lax.fori_loop(0, N_PAD // 16, zcnt, 0)

    pltpu.sync_copy(ridx_hbm.at[s], ridx_v)
    for t in range(ZCHUNKS):
      pltpu.sync_copy(rows_v, acc_sh.at[ridx_v.at[t]])

    plsc.subcore_barrier()

    def step(j, carry):
      pltpu.sync_copy(feat_hbm.at[idx_v.at[j, 0]], rows_v)
      pltpu.sync_copy(rows_v, acc_sh.at[idx_v.at[j, 1]], add=True)
      for k in range(CHUNK // 16):
        d16 = idx_v[j, 1, pl.ds(k * 16, 16)]
        plsc.addupdate_scatter(cnt_v, [d16], one16)
      return carry

    half = (nchunk + 1) // 2
    for h, n_this in enumerate((half, nchunk - half)):
      pltpu.sync_copy(
          idx_hbm.at[w, pl.ds(h * half, n_this)],
          idx_v.at[pl.ds(0, n_this)],
      )
      lax.fori_loop(0, n_this, step, 0)

    plsc.subcore_barrier()

    pltpu.sync_copy(cnt_v, cnt_out.at[w])
    for t in range(ZCHUNKS):
      pltpu.sync_copy(acc_sh.at[ridx_v.at[t]], rows_v)
      pltpu.sync_copy(rows_v, acc_out.at[c, pl.ds(base + t * CHUNK, CHUNK)])

  return sc_aggregate


def _tc_body(acc_ref, cnt_ref, nt_ref, temp_ref, w_ref, b_ref, out_ref):
  ssum = jnp.sum(acc_ref[...], axis=0)
  cnt = jnp.sum(cnt_ref[...], axis=0)
  neigh = ssum / jnp.maximum(cnt, 1.0)
  nt = nt_ref[:]
  res = temp_ref[:]
  for i in range(N_TYPES):
    oi = lax.dot_general(
        neigh, w_ref[i], (((1,), (1,)), ((), ())),
        preferred_element_type=jnp.float32,
    ) + b_ref[i][None, :]
    res = jnp.where(nt == i, oi, res)
  out_ref[:] = res


def _build_tc_apply(rblk: int):
  nblk = N_NODES // rblk
  return pl.pallas_call(
      _tc_body,
      grid=(nblk,),
      in_specs=[
          pl.BlockSpec((NC, rblk, D), lambda i: (0, i, 0)),
          pl.BlockSpec((NW, rblk, 1), lambda i: (0, i, 0)),
          pl.BlockSpec((rblk, 1), lambda i: (i, 0)),
          pl.BlockSpec((rblk, D), lambda i: (i, 0)),
          pl.BlockSpec((N_TYPES, D, D), lambda i: (0, 0, 0)),
          pl.BlockSpec((N_TYPES, D), lambda i: (0, 0)),
      ],
      out_specs=pl.BlockSpec((rblk, D), lambda i: (i, 0)),
      out_shape=jax.ShapeDtypeStruct((N_NODES, D), jnp.float32),
  )


def kernel(act_flag, feat, edge_index, ntype2, temp, gate_W, gate_b):
  e = edge_index.shape[1]
  gran = NW * CHUNK
  e_pad = ((e + gran - 1) // gran) * gran
  npad = e_pad - e
  nchunk = e_pad // (NW * CHUNK)
  src = jnp.concatenate([edge_index[0], jnp.zeros((npad,), jnp.int32)])
  dst = jnp.concatenate([edge_index[1], jnp.full((npad,), N_NODES, jnp.int32)])
  idx = jnp.stack(
      [src.reshape(NW, nchunk, CHUNK), dst.reshape(NW, nchunk, CHUNK)], axis=2
  )
  ridx = jnp.arange(N_PAD, dtype=jnp.int32).reshape(NS, ZCHUNKS, CHUNK)
  acc, cnt = _build_sc_aggregate(e_pad)(feat, idx, ridx)
  out = _build_tc_apply(400)(
      acc,
      cnt[:, :N_NODES].reshape(NW, N_NODES, 1),
      ntype2.reshape(N_NODES, 1),
      temp,
      gate_W,
      gate_b,
  )
  return out

# --- scband reference (transcript-rebuilt; emitter-appended) ---
"""Pipeline reference for scband-function-conv-5506148074028 (READ-ONLY COPY).

The authoritative reference and input builder live on the scoring server;
editing this copy changes nothing except your own understanding.
"""

import jax, jax.numpy as jnp
import numpy as np

N = 10000
E = 320000
IN_FEATS = 128
OUT_FEATS = 128
IN_DIM = 12  # get_options().in_dim: number of distinct gate types


def setup_inputs(seed: int = 0) -> dict:
    key = jax.random.key(seed)
    k1, k2, k3, k4 = jax.random.split(key, 4)
    feat = jax.random.normal(k1, (N, IN_FEATS), dtype=jnp.float32)
    edge_index = jax.random.randint(k2, (2, E), 0, N, dtype=jnp.int32)
    ntype2 = jax.random.randint(k3, (N,), 0, IN_DIM, dtype=jnp.int32)
    temp = jnp.zeros((N, OUT_FEATS), dtype=jnp.float32)
    # xavier_uniform with relu gain for each gate Linear: W_i [out, in], b_i [out]
    gain = float(np.sqrt(2.0))
    bound = gain * float(np.sqrt(6.0 / (IN_FEATS + OUT_FEATS)))
    gate_W = jax.random.uniform(k4, (IN_DIM, OUT_FEATS, IN_FEATS), dtype=jnp.float32, minval=-bound, maxval=bound)
    gate_b = jnp.zeros((IN_DIM, OUT_FEATS), dtype=jnp.float32)
    act_flag = 1
    return {"act_flag": act_flag, "feat": feat, "edge_index": edge_index, "ntype2": ntype2, "temp": temp, "gate_W": gate_W, "gate_b": gate_b}


def reference(act_flag, feat, edge_index, ntype2, temp, gate_W, gate_b):
    src = edge_index[0]
    dst = edge_index[1]
    # graph.update_all(fn.copy_src('h','m'), fn.mean('m','neigh'), apply_nodes_func)
    msgs = jnp.take(feat, src, axis=0)  # copy_src gather
    summed = jax.ops.segment_sum(msgs, dst, num_segments=N)
    cnt = jax.ops.segment_sum(jnp.ones((E,), jnp.float32), dst, num_segments=N)
    neigh = summed / jnp.maximum(cnt, 1.0)[:, None]  # mean reduce; isolated nodes -> 0
    # apply_nodes_func: per-gate-type Linear, masked overwrite of 'temp'
    res = temp
    for i in range(IN_DIM):
        mask = (ntype2 == i)
        out_i = neigh @ gate_W[i].T + gate_b[i]
        res = jnp.where(mask[:, None], out_i, res)
    # activation is None in this config, so act_flag has no effect
    return res

if __name__ == "__main__":
    import jax
    _d = setup_inputs()
    print(jax.jit(kernel)(*tuple(_d.values())))

</pallas_src>

<mosaic_0001>
#map = affine_map<(d0, d1) -> (0, 0)>
#map1 = affine_map<(d0, d1) -> (0, 0, 0, 0)>
#map2 = affine_map<(d0, d1) -> (0, 0, 0)>
module attributes {stable_mosaic.version = 14 : i64} {
  func.func @sc_aggregate(%arg0: i32, %arg1: i32, %arg2: memref<10000x128xf32, #tpu.memory_space<hbm>>, %arg3: memref<16x157x2x128xi32, #tpu.memory_space<hbm>>, %arg4: memref<16x5x128xi32, #tpu.memory_space<hbm>>, %arg5: memref<1x10240x128xf32, #tpu.memory_space<hbm>>, %arg6: memref<16x10240xf32, #tpu.memory_space<hbm>>, %arg7: memref<10240x128xf32, #tpu.memory_space<vmem_shared>>, %arg8: memref<79x2x128xi32, #tpu.memory_space<vmem>>, %arg9: memref<5x128xi32, #tpu.memory_space<vmem>>, %arg10: memref<128x128xf32, #tpu.memory_space<vmem>>, %arg11: memref<10240xf32, #tpu.memory_space<vmem>>) attributes {dimension_semantics = [#tpu.dimension_semantics<core_parallel>, #tpu.dimension_semantics<subcore_parallel>], iteration_bounds = array<i64: 1, 16>, scalar_prefetch = 0 : i64, scratch_operands = 5 : i64, tpu.core_type = #tpu.core_type<sc_vector_subcore>, window_params = [{transform_indices = #map}, {transform_indices = #map1}, {transform_indices = #map2}, {transform_indices = #map2}, {transform_indices = #map}]} {
    %mul3A = arith.constant 16 : i32
    %mul3A_0 = arith.muli %arg0, %mul3A : i32
    %add3A = arith.addi %mul3A_0, %arg1 : i32
    %mul3A_1 = arith.constant 640 : i32
    %mul3A_2 = arith.muli %arg1, %mul3A_1 : i32
    %broadcast_in_dim3A = arith.constant 0.000000e+00 : f32
    %broadcast_in_dim3A_3 = vector.broadcast %broadcast_in_dim3A : f32 to vector<16xf32>
    %broadcast_in_dim3A_4 = arith.constant 1.000000e+00 : f32
    %broadcast_in_dim3A_5 = vector.broadcast %broadcast_in_dim3A_4 : f32 to vector<16xf32>
    %scan3A = arith.constant 0 : i32
    %scan3A_6 = arith.constant 0 : i32
    %scan3A_7 = arith.constant 128 : i32
    %scan3A_8 = arith.addi %scan3A_6, %scan3A_7 : i32
    %scan3A_9 = arith.constant 1 : i32
    scf.for %scan3A_49 = %scan3A_6 to %scan3A_8 step %scan3A_9  : i32 {
      %swap3A = arith.index_cast %scan3A_49 : i32 to index
      %swap3A_50 = arith.constant 0 : index
      %swap3A_51 = tpu.vector_load %arg10[%swap3A, %swap3A_50] {strides = array<i32>} : memref<128x128xf32, #tpu.memory_space<vmem>>, vector<16xf32>,
      tpu.vector_store %arg10[%swap3A, %swap3A_50], %broadcast_in_dim3A_3 {strides = array<i32>} : memref<128x128xf32, #tpu.memory_space<vmem>>, vector<16xf32>,
      %swap3A_52 = arith.index_cast %scan3A_49 : i32 to index
      %swap3A_53 = arith.constant 16 : index
      %swap3A_54 = tpu.vector_load %arg10[%swap3A_52, %swap3A_53] {strides = array<i32>} : memref<128x128xf32, #tpu.memory_space<vmem>>, vector<16xf32>,
      tpu.vector_store %arg10[%swap3A_52, %swap3A_53], %broadcast_in_dim3A_3 {strides = array<i32>} : memref<128x128xf32, #tpu.memory_space<vmem>>, vector<16xf32>,
      %swap3A_55 = arith.index_cast %scan3A_49 : i32 to index
      %swap3A_56 = arith.constant 32 : index
      %swap3A_57 = tpu.vector_load %arg10[%swap3A_55, %swap3A_56] {strides = array<i32>} : memref<128x128xf32, #tpu.memory_space<vmem>>, vector<16xf32>,
      tpu.vector_store %arg10[%swap3A_55, %swap3A_56], %broadcast_in_dim3A_3 {strides = array<i32>} : memref<128x128xf32, #tpu.memory_space<vmem>>, vector<16xf32>,
      %swap3A_58 = arith.index_cast %scan3A_49 : i32 to index
      %swap3A_59 = arith.constant 48 : index
      %swap3A_60 = tpu.vector_load %arg10[%swap3A_58, %swap3A_59] {strides = array<i32>} : memref<128x128xf32, #tpu.memory_space<vmem>>, vector<16xf32>,
      tpu.vector_store %arg10[%swap3A_58, %swap3A_59], %broadcast_in_dim3A_3 {strides = array<i32>} : memref<128x128xf32, #tpu.memory_space<vmem>>, vector<16xf32>,
      %swap3A_61 = arith.index_cast %scan3A_49 : i32 to index
      %swap3A_62 = arith.constant 64 : index
      %swap3A_63 = tpu.vector_load %arg10[%swap3A_61, %swap3A_62] {strides = array<i32>} : memref<128x128xf32, #tpu.memory_space<vmem>>, vector<16xf32>,
      tpu.vector_store %arg10[%swap3A_61, %swap3A_62], %broadcast_in_dim3A_3 {strides = array<i32>} : memref<128x128xf32, #tpu.memory_space<vmem>>, vector<16xf32>,
      %swap3A_64 = arith.index_cast %scan3A_49 : i32 to index
      %swap3A_65 = arith.constant 80 : index
      %swap3A_66 = tpu.vector_load %arg10[%swap3A_64, %swap3A_65] {strides = array<i32>} : memref<128x128xf32, #tpu.memory_space<vmem>>, vector<16xf32>,
      tpu.vector_store %arg10[%swap3A_64, %swap3A_65], %broadcast_in_dim3A_3 {strides = array<i32>} : memref<128x128xf32, #tpu.memory_space<vmem>>, vector<16xf32>,
      %swap3A_67 = arith.index_cast %scan3A_49 : i32 to index
      %swap3A_68 = arith.constant 96 : index
      %swap3A_69 = tpu.vector_load %arg10[%swap3A_67, %swap3A_68] {strides = array<i32>} : memref<128x128xf32, #tpu.memory_space<vmem>>, vector<16xf32>,
      tpu.vector_store %arg10[%swap3A_67, %swap3A_68], %broadcast_in_dim3A_3 {strides = array<i32>} : memref<128x128xf32, #tpu.memory_space<vmem>>, vector<16xf32>,
      %swap3A_70 = arith.index_cast %scan3A_49 : i32 to index
      %swap3A_71 = arith.constant 112 : index
      %swap3A_72 = tpu.vector_load %arg10[%swap3A_70, %swap3A_71] {strides = array<i32>} : memref<128x128xf32, #tpu.memory_space<vmem>>, vector<16xf32>,
      tpu.vector_store %arg10[%swap3A_70, %swap3A_71], %broadcast_in_dim3A_3 {strides = array<i32>} : memref<128x128xf32, #tpu.memory_space<vmem>>, vector<16xf32>,
    }
    %scan3A_10 = arith.constant 128 : i32
    %scan3A_11 = arith.constant 0 : i32
    %scan3A_12 = arith.constant 0 : i32
    %scan3A_13 = arith.constant 640 : i32
    %scan3A_14 = arith.addi %scan3A_12, %scan3A_13 : i32
    %scan3A_15 = arith.constant 1 : i32
    scf.for %scan3A_49 = %scan3A_12 to %scan3A_14 step %scan3A_15  : i32 {
      %mul3A_50 = arith.constant 16 : i32
      %mul3A_51 = arith.muli %scan3A_49, %mul3A_50 : i32
      %swap3A = arith.index_cast %mul3A_51 : i32 to index
      %swap3A_52 = tpu.vector_load %arg11[%swap3A] {strides = array<i32>} : memref<10240xf32, #tpu.memory_space<vmem>>, vector<16xf32>,
      tpu.vector_store %arg11[%swap3A], %broadcast_in_dim3A_3 {strides = array<i32>} : memref<10240xf32, #tpu.memory_space<vmem>>, vector<16xf32>,
    }
    %scan3A_16 = arith.constant 640 : i32
    "tpu.region"() ({
      %run_scoped3A_49 = tpu.sem_alloc : memref<!tpu.dma_semaphore, #tpu.memory_space<semaphore_mem>>
      %dma_start3A = arith.constant 0 : i32
      %dma_start3A_50 = arith.constant 0 : i32
      %dma_start3A_51 = tpu.memref_slice %arg4[%arg1, %dma_start3A, %dma_start3A_50] : memref<16x5x128xi32, #tpu.memory_space<hbm>> -> memref<1x5x128xi32, #tpu.memory_space<hbm>>
      %dma_start3A_52 = tpu.memref_squeeze %dma_start3A_51 : memref<1x5x128xi32, #tpu.memory_space<hbm>> -> memref<5x128xi32, #tpu.memory_space<hbm>>
      %dma_start3A_53 = arith.constant 0 : i32
      %dma_start3A_54 = arith.constant 0 : i32
      %dma_start3A_55 = tpu.memref_slice %arg4[%arg1, %dma_start3A_53, %dma_start3A_54] : memref<16x5x128xi32, #tpu.memory_space<hbm>> -> memref<1x5x128xi32, #tpu.memory_space<hbm>>
      %dma_start3A_56 = tpu.memref_squeeze %dma_start3A_55 : memref<1x5x128xi32, #tpu.memory_space<hbm>> -> memref<5x128xi32, #tpu.memory_space<hbm>>
      tpu.enqueue_dma source(%dma_start3A_56 : memref<5x128xi32, #tpu.memory_space<hbm>>) target(%arg9 : memref<5x128xi32, #tpu.memory_space<vmem>>) target_semaphore(%run_scoped3A_49 : memref<!tpu.dma_semaphore, #tpu.memory_space<semaphore_mem>>)
      %dma_wait3A = arith.constant 0 : i32
      %dma_wait3A_57 = arith.constant 0 : i32
      %dma_wait3A_58 = tpu.memref_slice %arg4[%arg1, %dma_wait3A, %dma_wait3A_57] : memref<16x5x128xi32, #tpu.memory_space<hbm>> -> memref<1x5x128xi32, #tpu.memory_space<hbm>>
      %dma_wait3A_59 = tpu.memref_squeeze %dma_wait3A_58 : memref<1x5x128xi32, #tpu.memory_space<hbm>> -> memref<5x128xi32, #tpu.memory_space<hbm>>
      %dma_wait3A_60 = arith.constant 0 : i32
      %dma_wait3A_61 = arith.constant 0 : i32
      %dma_wait3A_62 = tpu.memref_slice %arg4[%arg1, %dma_wait3A_60, %dma_wait3A_61] : memref<16x5x128xi32, #tpu.memory_space<hbm>> -> memref<1x5x128xi32, #tpu.memory_space<hbm>>
      %dma_wait3A_63 = tpu.memref_squeeze %dma_wait3A_62 : memref<1x5x128xi32, #tpu.memory_space<hbm>> -> memref<5x128xi32, #tpu.memory_space<hbm>>
      tpu.wait_dma2 semaphore(%run_scoped3A_49 : memref<!tpu.dma_semaphore, #tpu.memory_space<semaphore_mem>>) src(%dma_wait3A_63 : memref<5x128xi32, #tpu.memory_space<hbm>>) dst(%arg9 : memref<5x128xi32, #tpu.memory_space<vmem>>)
      tpu.yield
    }) : () -> ()
    %run_scoped3A = arith.constant 0 : i32
    "tpu.region"() ({
      %run_scoped3A_49 = tpu.sem_alloc : memref<!tpu.dma_semaphore, #tpu.memory_space<semaphore_mem>>
      %dma_start3A = arith.constant 0 : i32
      %dma_start3A_50 = tpu.memref_slice %arg9[%run_scoped3A, %dma_start3A] : memref<5x128xi32, #tpu.memory_space<vmem>> -> memref<1x128xi32, #tpu.memory_space<vmem>>
      %dma_start3A_51 = tpu.memref_squeeze %dma_start3A_50 : memref<1x128xi32, #tpu.memory_space<vmem>> -> memref<128xi32, #tpu.memory_space<vmem>>
      %dma_start3A_52 = arith.constant 0 : i32
      %dma_start3A_53 = arith.constant 0 : i32
      %dma_start3A_54 = tpu.memref_slice %arg7[%dma_start3A_52, %dma_start3A_53] : memref<10240x128xf32, #tpu.memory_space<vmem_shared>> -> memref<10240x128xf32, #tpu.memory_space<vmem_shared>>
      tpu.enqueue_indirect_dma source(%arg10 : memref<128x128xf32, #tpu.memory_space<vmem>>) target(%dma_start3A_54 : memref<10240x128xf32, #tpu.memory_space<vmem_shared>>) offsets(%dma_start3A_51 : memref<128xi32, #tpu.memory_space<vmem>>) semaphore(%run_scoped3A_49 : memref<!tpu.dma_semaphore, #tpu.memory_space<semaphore_mem>>)
      %dma_wait3A = arith.constant 0 : i32
      %dma_wait3A_55 = tpu.memref_slice %arg9[%run_scoped3A, %dma_wait3A] : memref<5x128xi32, #tpu.memory_space<vmem>> -> memref<1x128xi32, #tpu.memory_space<vmem>>
      %dma_wait3A_56 = tpu.memref_squeeze %dma_wait3A_55 : memref<1x128xi32, #tpu.memory_space<vmem>> -> memref<128xi32, #tpu.memory_space<vmem>>
      %dma_wait3A_57 = arith.constant 0 : i32
      %dma_wait3A_58 = arith.constant 0 : i32
      %dma_wait3A_59 = tpu.memref_slice %arg7[%dma_wait3A_57, %dma_wait3A_58] : memref<10240x128xf32, #tpu.memory_space<vmem_shared>> -> memref<10240x128xf32, #tpu.memory_space<vmem_shared>>
      tpu.wait_indirect_dma semaphore(%run_scoped3A_49 : memref<!tpu.dma_semaphore, #tpu.memory_space<semaphore_mem>>) src(%arg10 : memref<128x128xf32, #tpu.memory_space<vmem>>) dst(%dma_wait3A_59 : memref<10240x128xf32, #tpu.memory_space<vmem_shared>>)
      tpu.yield
    }) : () -> ()
    %run_scoped3A_17 = arith.constant 1 : i32
    "tpu.region"() ({
      %run_scoped3A_49 = tpu.sem_alloc : memref<!tpu.dma_semaphore, #tpu.memory_space<semaphore_mem>>
      %dma_start3A = arith.constant 0 : i32
      %dma_start3A_50 = tpu.memref_slice %arg9[%run_scoped3A_17, %dma_start3A] : memref<5x128xi32, #tpu.memory_space<vmem>> -> memref<1x128xi32, #tpu.memory_space<vmem>>
      %dma_start3A_51 = tpu.memref_squeeze %dma_start3A_50 : memref<1x128xi32, #tpu.memory_space<vmem>> -> memref<128xi32, #tpu.memory_space<vmem>>
      %dma_start3A_52 = arith.constant 0 : i32
      %dma_start3A_53 = arith.constant 0 : i32
      %dma_start3A_54 = tpu.memref_slice %arg7[%dma_start3A_52, %dma_start3A_53] : memref<10240x128xf32, #tpu.memory_space<vmem_shared>> -> memref<10240x128xf32, #tpu.memory_space<vmem_shared>>
      tpu.enqueue_indirect_dma source(%arg10 : memref<128x128xf32, #tpu.memory_space<vmem>>) target(%dma_start3A_54 : memref<10240x128xf32, #tpu.memory_space<vmem_shared>>) offsets(%dma_start3A_51 : memref<128xi32, #tpu.memory_space<vmem>>) semaphore(%run_scoped3A_49 : memref<!tpu.dma_semaphore, #tpu.memory_space<semaphore_mem>>)
      %dma_wait3A = arith.constant 0 : i32
      %dma_wait3A_55 = tpu.memref_slice %arg9[%run_scoped3A_17, %dma_wait3A] : memref<5x128xi32, #tpu.memory_space<vmem>> -> memref<1x128xi32, #tpu.memory_space<vmem>>
      %dma_wait3A_56 = tpu.memref_squeeze %dma_wait3A_55 : memref<1x128xi32, #tpu.memory_space<vmem>> -> memref<128xi32, #tpu.memory_space<vmem>>
      %dma_wait3A_57 = arith.constant 0 : i32
      %dma_wait3A_58 = arith.constant 0 : i32
      %dma_wait3A_59 = tpu.memref_slice %arg7[%dma_wait3A_57, %dma_wait3A_58] : memref<10240x128xf32, #tpu.memory_space<vmem_shared>> -> memref<10240x128xf32, #tpu.memory_space<vmem_shared>>
      tpu.wait_indirect_dma semaphore(%run_scoped3A_49 : memref<!tpu.dma_semaphore, #tpu.memory_space<semaphore_mem>>) src(%arg10 : memref<128x128xf32, #tpu.memory_space<vmem>>) dst(%dma_wait3A_59 : memref<10240x128xf32, #tpu.memory_space<vmem_shared>>)
      tpu.yield
    }) : () -> ()
    %run_scoped3A_18 = arith.constant 2 : i32
    "tpu.region"() ({
      %run_scoped3A_49 = tpu.sem_alloc : memref<!tpu.dma_semaphore, #tpu.memory_space<semaphore_mem>>
      %dma_start3A = arith.constant 0 : i32
      %dma_start3A_50 = tpu.memref_slice %arg9[%run_scoped3A_18, %dma_start3A] : memref<5x128xi32, #tpu.memory_space<vmem>> -> memref<1x128xi32, #tpu.memory_space<vmem>>
      %dma_start3A_51 = tpu.memref_squeeze %dma_start3A_50 : memref<1x128xi32, #tpu.memory_space<vmem>> -> memref<128xi32, #tpu.memory_space<vmem>>
      %dma_start3A_52 = arith.constant 0 : i32
      %dma_start3A_53 = arith.constant 0 : i32
      %dma_start3A_54 = tpu.memref_slice %arg7[%dma_start3A_52, %dma_start3A_53] : memref<10240x128xf32, #tpu.memory_space<vmem_shared>> -> memref<10240x128xf32, #tpu.memory_space<vmem_shared>>
      tpu.enqueue_indirect_dma source(%arg10 : memref<128x128xf32, #tpu.memory_space<vmem>>) target(%dma_start3A_54 : memref<10240x128xf32, #tpu.memory_space<vmem_shared>>) offsets(%dma_start3A_51 : memref<128xi32, #tpu.memory_space<vmem>>) semaphore(%run_scoped3A_49 : memref<!tpu.dma_semaphore, #tpu.memory_space<semaphore_mem>>)
      %dma_wait3A = arith.constant 0 : i32
      %dma_wait3A_55 = tpu.memref_slice %arg9[%run_scoped3A_18, %dma_wait3A] : memref<5x128xi32, #tpu.memory_space<vmem>> -> memref<1x128xi32, #tpu.memory_space<vmem>>
      %dma_wait3A_56 = tpu.memref_squeeze %dma_wait3A_55 : memref<1x128xi32, #tpu.memory_space<vmem>> -> memref<128xi32, #tpu.memory_space<vmem>>
      %dma_wait3A_57 = arith.constant 0 : i32
      %dma_wait3A_58 = arith.constant 0 : i32
      %dma_wait3A_59 = tpu.memref_slice %arg7[%dma_wait3A_57, %dma_wait3A_58] : memref<10240x128xf32, #tpu.memory_space<vmem_shared>> -> memref<10240x128xf32, #tpu.memory_space<vmem_shared>>
      tpu.wait_indirect_dma semaphore(%run_scoped3A_49 : memref<!tpu.dma_semaphore, #tpu.memory_space<semaphore_mem>>) src(%arg10 : memref<128x128xf32, #tpu.memory_space<vmem>>) dst(%dma_wait3A_59 : memref<10240x128xf32, #tpu.memory_space<vmem_shared>>)
      tpu.yield
    }) : () -> ()
    %run_scoped3A_19 = arith.constant 3 : i32
    "tpu.region"() ({
      %run_scoped3A_49 = tpu.sem_alloc : memref<!tpu.dma_semaphore, #tpu.memory_space<semaphore_mem>>
      %dma_start3A = arith.constant 0 : i32
      %dma_start3A_50 = tpu.memref_slice %arg9[%run_scoped3A_19, %dma_start3A] : memref<5x128xi32, #tpu.memory_space<vmem>> -> memref<1x128xi32, #tpu.memory_space<vmem>>
      %dma_start3A_51 = tpu.memref_squeeze %dma_start3A_50 : memref<1x128xi32, #tpu.memory_space<vmem>> -> memref<128xi32, #tpu.memory_space<vmem>>
      %dma_start3A_52 = arith.constant 0 : i32
      %dma_start3A_53 = arith.constant 0 : i32
      %dma_start3A_54 = tpu.memref_slice %arg7[%dma_start3A_52, %dma_start3A_53] : memref<10240x128xf32, #tpu.memory_space<vmem_shared>> -> memref<10240x128xf32, #tpu.memory_space<vmem_shared>>
      tpu.enqueue_indirect_dma source(%arg10 : memref<128x128xf32, #tpu.memory_space<vmem>>) target(%dma_start3A_54 : memref<10240x128xf32, #tpu.memory_space<vmem_shared>>) offsets(%dma_start3A_51 : memref<128xi32, #tpu.memory_space<vmem>>) semaphore(%run_scoped3A_49 : memref<!tpu.dma_semaphore, #tpu.memory_space<semaphore_mem>>)
      %dma_wait3A = arith.constant 0 : i32
      %dma_wait3A_55 = tpu.memref_slice %arg9[%run_scoped3A_19, %dma_wait3A] : memref<5x128xi32, #tpu.memory_space<vmem>> -> memref<1x128xi32, #tpu.memory_space<vmem>>
      %dma_wait3A_56 = tpu.memref_squeeze %dma_wait3A_55 : memref<1x128xi32, #tpu.memory_space<vmem>> -> memref<128xi32, #tpu.memory_space<vmem>>
      %dma_wait3A_57 = arith.constant 0 : i32
      %dma_wait3A_58 = arith.constant 0 : i32
      %dma_wait3A_59 = tpu.memref_slice %arg7[%dma_wait3A_57, %dma_wait3A_58] : memref<10240x128xf32, #tpu.memory_space<vmem_shared>> -> memref<10240x128xf32, #tpu.memory_space<vmem_shared>>
      tpu.wait_indirect_dma semaphore(%run_scoped3A_49 : memref<!tpu.dma_semaphore, #tpu.memory_space<semaphore_mem>>) src(%arg10 : memref<128x128xf32, #tpu.memory_space<vmem>>) dst(%dma_wait3A_59 : memref<10240x128xf32, #tpu.memory_space<vmem_shared>>)
      tpu.yield
    }) : () -> ()
    %run_scoped3A_20 = arith.constant 4 : i32
    "tpu.region"() ({
      %run_scoped3A_49 = tpu.sem_alloc : memref<!tpu.dma_semaphore, #tpu.memory_space<semaphore_mem>>
      %dma_start3A = arith.constant 0 : i32
      %dma_start3A_50 = tpu.memref_slice %arg9[%run_scoped3A_20, %dma_start3A] : memref<5x128xi32, #tpu.memory_space<vmem>> -> memref<1x128xi32, #tpu.memory_space<vmem>>
      %dma_start3A_51 = tpu.memref_squeeze %dma_start3A_50 : memref<1x128xi32, #tpu.memory_space<vmem>> -> memref<128xi32, #tpu.memory_space<vmem>>
      %dma_start3A_52 = arith.constant 0 : i32
      %dma_start3A_53 = arith.constant 0 : i32
      %dma_start3A_54 = tpu.memref_slice %arg7[%dma_start3A_52, %dma_start3A_53] : memref<10240x128xf32, #tpu.memory_space<vmem_shared>> -> memref<10240x128xf32, #tpu.memory_space<vmem_shared>>
      tpu.enqueue_indirect_dma source(%arg10 : memref<128x128xf32, #tpu.memory_space<vmem>>) target(%dma_start3A_54 : memref<10240x128xf32, #tpu.memory_space<vmem_shared>>) offsets(%dma_start3A_51 : memref<128xi32, #tpu.memory_space<vmem>>) semaphore(%run_scoped3A_49 : memref<!tpu.dma_semaphore, #tpu.memory_space<semaphore_mem>>)
      %dma_wait3A = arith.constant 0 : i32
      %dma_wait3A_55 = tpu.memref_slice %arg9[%run_scoped3A_20, %dma_wait3A] : memref<5x128xi32, #tpu.memory_space<vmem>> -> memref<1x128xi32, #tpu.memory_space<vmem>>
      %dma_wait3A_56 = tpu.memref_squeeze %dma_wait3A_55 : memref<1x128xi32, #tpu.memory_space<vmem>> -> memref<128xi32, #tpu.memory_space<vmem>>
      %dma_wait3A_57 = arith.constant 0 : i32
      %dma_wait3A_58 = arith.constant 0 : i32
      %dma_wait3A_59 = tpu.memref_slice %arg7[%dma_wait3A_57, %dma_wait3A_58] : memref<10240x128xf32, #tpu.memory_space<vmem_shared>> -> memref<10240x128xf32, #tpu.memory_space<vmem_shared>>
      tpu.wait_indirect_dma semaphore(%run_scoped3A_49 : memref<!tpu.dma_semaphore, #tpu.memory_space<semaphore_mem>>) src(%arg10 : memref<128x128xf32, #tpu.memory_space<vmem>>) dst(%dma_wait3A_59 : memref<10240x128xf32, #tpu.memory_space<vmem_shared>>)
      tpu.yield
    }) : () -> ()
    %barrier3A = arith.constant 0 : index
    tpu.barrier barrier_id(%barrier3A)
    "tpu.region"() ({
      %run_scoped3A_49 = tpu.sem_alloc : memref<!tpu.dma_semaphore, #tpu.memory_space<semaphore_mem>>
      %dma_start3A = arith.constant 0 : i32
      %dma_start3A_50 = arith.constant 0 : i32
      %dma_start3A_51 = arith.constant 0 : i32
      %dma_start3A_52 = tpu.memref_slice %arg8[%dma_start3A, %dma_start3A_50, %dma_start3A_51] : memref<79x2x128xi32, #tpu.memory_space<vmem>> -> memref<79x2x128xi32, #tpu.memory_space<vmem>>
      %dma_start3A_53 = arith.constant 0 : i32
      %dma_start3A_54 = arith.constant 0 : i32
      %dma_start3A_55 = arith.constant 0 : i32
      %dma_start3A_56 = tpu.memref_slice %arg3[%add3A, %dma_start3A_53, %dma_start3A_54, %dma_start3A_55] : memref<16x157x2x128xi32, #tpu.memory_space<hbm>> -> memref<1x79x2x128xi32, #tpu.memory_space<hbm>>
      %dma_start3A_57 = tpu.memref_squeeze %dma_start3A_56 : memref<1x79x2x128xi32, #tpu.memory_space<hbm>> -> memref<79x2x128xi32, #tpu.memory_space<hbm>>
      %dma_start3A_58 = arith.constant 0 : i32
      %dma_start3A_59 = arith.constant 0 : i32
      %dma_start3A_60 = arith.constant 0 : i32
      %dma_start3A_61 = tpu.memref_slice %arg8[%dma_start3A_58, %dma_start3A_59, %dma_start3A_60] : memref<79x2x128xi32, #tpu.memory_space<vmem>> -> memref<79x2x128xi32, #tpu.memory_space<vmem>>
      %dma_start3A_62 = arith.constant 0 : i32
      %dma_start3A_63 = arith.constant 0 : i32
      %dma_start3A_64 = arith.constant 0 : i32
      %dma_start3A_65 = tpu.memref_slice %arg3[%add3A, %dma_start3A_62, %dma_start3A_63, %dma_start3A_64] : memref<16x157x2x128xi32, #tpu.memory_space<hbm>> -> memref<1x79x2x128xi32, #tpu.memory_space<hbm>>
      %dma_start3A_66 = tpu.memref_squeeze %dma_start3A_65 : memref<1x79x2x128xi32, #tpu.memory_space<hbm>> -> memref<79x2x128xi32, #tpu.memory_space<hbm>>
      tpu.enqueue_dma source(%dma_start3A_66 : memref<79x2x128xi32, #tpu.memory_space<hbm>>) target(%dma_start3A_61 : memref<79x2x128xi32, #tpu.memory_space<vmem>>) target_semaphore(%run_scoped3A_49 : memref<!tpu.dma_semaphore, #tpu.memory_space<semaphore_mem>>)
      %dma_wait3A = arith.constant 0 : i32
      %dma_wait3A_67 = arith.constant 0 : i32
      %dma_wait3A_68 = arith.constant 0 : i32
      %dma_wait3A_69 = tpu.memref_slice %arg8[%dma_wait3A, %dma_wait3A_67, %dma_wait3A_68] : memref<79x2x128xi32, #tpu.memory_space<vmem>> -> memref<79x2x128xi32, #tpu.memory_space<vmem>>
      %dma_wait3A_70 = arith.constant 0 : i32
      %dma_wait3A_71 = arith.constant 0 : i32
      %dma_wait3A_72 = arith.constant 0 : i32
      %dma_wait3A_73 = tpu.memref_slice %arg3[%add3A, %dma_wait3A_70, %dma_wait3A_71, %dma_wait3A_72] : memref<16x157x2x128xi32, #tpu.memory_space<hbm>> -> memref<1x79x2x128xi32, #tpu.memory_space<hbm>>
      %dma_wait3A_74 = tpu.memref_squeeze %dma_wait3A_73 : memref<1x79x2x128xi32, #tpu.memory_space<hbm>> -> memref<79x2x128xi32, #tpu.memory_space<hbm>>
      %dma_wait3A_75 = arith.constant 0 : i32
      %dma_wait3A_76 = arith.constant 0 : i32
      %dma_wait3A_77 = arith.constant 0 : i32
      %dma_wait3A_78 = tpu.memref_slice %arg8[%dma_wait3A_75, %dma_wait3A_76, %dma_wait3A_77] : memref<79x2x128xi32, #tpu.memory_space<vmem>> -> memref<79x2x128xi32, #tpu.memory_space<vmem>>
      %dma_wait3A_79 = arith.constant 0 : i32
      %dma_wait3A_80 = arith.constant 0 : i32
      %dma_wait3A_81 = arith.constant 0 : i32
      %dma_wait3A_82 = tpu.memref_slice %arg3[%add3A, %dma_wait3A_79, %dma_wait3A_80, %dma_wait3A_81] : memref<16x157x2x128xi32, #tpu.memory_space<hbm>> -> memref<1x79x2x128xi32, #tpu.memory_space<hbm>>
      %dma_wait3A_83 = tpu.memref_squeeze %dma_wait3A_82 : memref<1x79x2x128xi32, #tpu.memory_space<hbm>> -> memref<79x2x128xi32, #tpu.memory_space<hbm>>
      tpu.wait_dma2 semaphore(%run_scoped3A_49 : memref<!tpu.dma_semaphore, #tpu.memory_space<semaphore_mem>>) src(%dma_wait3A_83 : memref<79x2x128xi32, #tpu.memory_space<hbm>>) dst(%dma_wait3A_78 : memref<79x2x128xi32, #tpu.memory_space<vmem>>)
      tpu.yield
    }) : () -> ()
    %scan3A_21 = arith.constant 0 : i32
    %scan3A_22 = arith.constant 0 : i32
    %scan3A_23 = arith.constant 79 : i32
    %scan3A_24 = arith.addi %scan3A_22, %scan3A_23 : i32
    %scan3A_25 = arith.constant 1 : i32
    scf.for %scan3A_49 = %scan3A_22 to %scan3A_24 step %scan3A_25  : i32 {
      %run_scoped3A_50 = arith.constant 0 : i32
      "tpu.region"() ({
        %run_scoped3A_91 = tpu.sem_alloc : memref<!tpu.dma_semaphore, #tpu.memory_space<semaphore_mem>>
        %dma_start3A = arith.constant 0 : i32
        %dma_start3A_92 = tpu.memref_slice %arg8[%scan3A_49, %run_scoped3A_50, %dma_start3A] : memref<79x2x128xi32, #tpu.memory_space<vmem>> -> memref<1x1x128xi32, #tpu.memory_space<vmem>>
        %dma_start3A_93 = tpu.memref_squeeze %dma_start3A_92 : memref<1x1x128xi32, #tpu.memory_space<vmem>> -> memref<128xi32, #tpu.memory_space<vmem>>
        %dma_start3A_94 = arith.constant 0 : i32
        %dma_start3A_95 = arith.constant 0 : i32
        %dma_start3A_96 = tpu.memref_slice %arg2[%dma_start3A_94, %dma_start3A_95] : memref<10000x128xf32, #tpu.memory_space<hbm>> -> memref<10000x128xf32, #tpu.memory_space<hbm>>
        tpu.enqueue_indirect_dma source(%dma_start3A_96 : memref<10000x128xf32, #tpu.memory_space<hbm>>) target(%arg10 : memref<128x128xf32, #tpu.memory_space<vmem>>) offsets(%dma_start3A_93 : memref<128xi32, #tpu.memory_space<vmem>>) semaphore(%run_scoped3A_91 : memref<!tpu.dma_semaphore, #tpu.memory_space<semaphore_mem>>)
        %dma_wait3A = arith.constant 0 : i32
        %dma_wait3A_97 = tpu.memref_slice %arg8[%scan3A_49, %run_scoped3A_50, %dma_wait3A] : memref<79x2x128xi32, #tpu.memory_space<vmem>> -> memref<1x1x128xi32, #tpu.memory_space<vmem>>
        %dma_wait3A_98 = tpu.memref_squeeze %dma_wait3A_97 : memref<1x1x128xi32, #tpu.memory_space<vmem>> -> memref<128xi32, #tpu.memory_space<vmem>>
        %dma_wait3A_99 = arith.constant 0 : i32
        %dma_wait3A_100 = arith.constant 0 : i32
        %dma_wait3A_101 = tpu.memref_slice %arg2[%dma_wait3A_99, %dma_wait3A_100] : memref<10000x128xf32, #tpu.memory_space<hbm>> -> memref<10000x128xf32, #tpu.memory_space<hbm>>
        tpu.wait_indirect_dma semaphore(%run_scoped3A_91 : memref<!tpu.dma_semaphore, #tpu.memory_space<semaphore_mem>>) src(%dma_wait3A_101 : memref<10000x128xf32, #tpu.memory_space<hbm>>) dst(%arg10 : memref<128x128xf32, #tpu.memory_space<vmem>>)
        tpu.yield
      }) : () -> ()
      %run_scoped3A_51 = arith.constant 1 : i32
      "tpu.region"() ({
        %run_scoped3A_91 = tpu.sem_alloc : memref<!tpu.dma_semaphore, #tpu.memory_space<semaphore_mem>>
        %dma_start3A = arith.constant 0 : i32
        %dma_start3A_92 = tpu.memref_slice %arg8[%scan3A_49, %run_scoped3A_51, %dma_start3A] : memref<79x2x128xi32, #tpu.memory_space<vmem>> -> memref<1x1x128xi32, #tpu.memory_space<vmem>>
        %dma_start3A_93 = tpu.memref_squeeze %dma_start3A_92 : memref<1x1x128xi32, #tpu.memory_space<vmem>> -> memref<128xi32, #tpu.memory_space<vmem>>
        %dma_start3A_94 = arith.constant 0 : i32
        %dma_start3A_95 = arith.constant 0 : i32
        %dma_start3A_96 = tpu.memref_slice %arg7[%dma_start3A_94, %dma_start3A_95] : memref<10240x128xf32, #tpu.memory_space<vmem_shared>> -> memref<10240x128xf32, #tpu.memory_space<vmem_shared>>
        tpu.enqueue_indirect_dma source(%arg10 : memref<128x128xf32, #tpu.memory_space<vmem>>) target(%dma_start3A_96 : memref<10240x128xf32, #tpu.memory_space<vmem_shared>>) offsets(%dma_start3A_93 : memref<128xi32, #tpu.memory_space<vmem>>) semaphore(%run_scoped3A_91 : memref<!tpu.dma_semaphore, #tpu.memory_space<semaphore_mem>>) {add = true}
        %dma_wait3A = arith.constant 0 : i32
        %dma_wait3A_97 = tpu.memref_slice %arg8[%scan3A_49, %run_scoped3A_51, %dma_wait3A] : memref<79x2x128xi32, #tpu.memory_space<vmem>> -> memref<1x1x128xi32, #tpu.memory_space<vmem>>
        %dma_wait3A_98 = tpu.memref_squeeze %dma_wait3A_97 : memref<1x1x128xi32, #tpu.memory_space<vmem>> -> memref<128xi32, #tpu.memory_space<vmem>>
        %dma_wait3A_99 = arith.constant 0 : i32
        %dma_wait3A_100 = arith.constant 0 : i32
        %dma_wait3A_101 = tpu.memref_slice %arg7[%dma_wait3A_99, %dma_wait3A_100] : memref<10240x128xf32, #tpu.memory_space<vmem_shared>> -> memref<10240x128xf32, #tpu.memory_space<vmem_shared>>
        tpu.wait_indirect_dma semaphore(%run_scoped3A_91 : memref<!tpu.dma_semaphore, #tpu.memory_space<semaphore_mem>>) src(%arg10 : memref<128x128xf32, #tpu.memory_space<vmem>>) dst(%dma_wait3A_101 : memref<10240x128xf32, #tpu.memory_space<vmem_shared>>)
        tpu.yield
      }) : () -> ()
      %get3A = arith.constant 1 : i32
      %get3A_52 = arith.index_cast %scan3A_49 : i32 to index
      %get3A_53 = arith.index_cast %get3A : i32 to index
      %get3A_54 = arith.constant 0 : index
      %get3A_55 = tpu.vector_load %arg8[%get3A_52, %get3A_53, %get3A_54] {strides = array<i32>} : memref<79x2x128xi32, #tpu.memory_space<vmem>>, vector<16xi32>,
      tpu.vector_store_idx %arg11[%get3A_55], %broadcast_in_dim3A_5 {add = true} : memref<10240xf32, #tpu.memory_space<vmem>>[vector<16xi32>], vector<16xf32>,
      %get3A_56 = arith.constant 1 : i32
      %get3A_57 = arith.index_cast %scan3A_49 : i32 to index
      %get3A_58 = arith.index_cast %get3A_56 : i32 to index
      %get3A_59 = arith.constant 16 : index
      %get3A_60 = tpu.vector_load %arg8[%get3A_57, %get3A_58, %get3A_59] {strides = array<i32>} : memref<79x2x128xi32, #tpu.memory_space<vmem>>, vector<16xi32>,
      tpu.vector_store_idx %arg11[%get3A_60], %broadcast_in_dim3A_5 {add = true} : memref<10240xf32, #tpu.memory_space<vmem>>[vector<16xi32>], vector<16xf32>,
      %get3A_61 = arith.constant 1 : i32
      %get3A_62 = arith.index_cast %scan3A_49 : i32 to index
      %get3A_63 = arith.index_cast %get3A_61 : i32 to index
      %get3A_64 = arith.constant 32 : index
      %get3A_65 = tpu.vector_load %arg8[%get3A_62, %get3A_63, %get3A_64] {strides = array<i32>} : memref<79x2x128xi32, #tpu.memory_space<vmem>>, vector<16xi32>,
      tpu.vector_store_idx %arg11[%get3A_65], %broadcast_in_dim3A_5 {add = true} : memref<10240xf32, #tpu.memory_space<vmem>>[vector<16xi32>], vector<16xf32>,
      %get3A_66 = arith.constant 1 : i32
      %get3A_67 = arith.index_cast %scan3A_49 : i32 to index
      %get3A_68 = arith.index_cast %get3A_66 : i32 to index
      %get3A_69 = arith.constant 48 : index
      %get3A_70 = tpu.vector_load %arg8[%get3A_67, %get3A_68, %get3A_69] {strides = array<i32>} : memref<79x2x128xi32, #tpu.memory_space<vmem>>, vector<16xi32>,
      tpu.vector_store_idx %arg11[%get3A_70], %broadcast_in_dim3A_5 {add = true} : memref<10240xf32, #tpu.memory_space<vmem>>[vector<16xi32>], vector<16xf32>,
      %get3A_71 = arith.constant 1 : i32
      %get3A_72 = arith.index_cast %scan3A_49 : i32 to index
      %get3A_73 = arith.index_cast %get3A_71 : i32 to index
      %get3A_74 = arith.constant 64 : index
      %get3A_75 = tpu.vector_load %arg8[%get3A_72, %get3A_73, %get3A_74] {strides = array<i32>} : memref<79x2x128xi32, #tpu.memory_space<vmem>>, vector<16xi32>,
      tpu.vector_store_idx %arg11[%get3A_75], %broadcast_in_dim3A_5 {add = true} : memref<10240xf32, #tpu.memory_space<vmem>>[vector<16xi32>], vector<16xf32>,
      %get3A_76 = arith.constant 1 : i32
      %get3A_77 = arith.index_cast %scan3A_49 : i32 to index
      %get3A_78 = arith.index_cast %get3A_76 : i32 to index
      %get3A_79 = arith.constant 80 : index
      %get3A_80 = tpu.vector_load %arg8[%get3A_77, %get3A_78, %get3A_79] {strides = array<i32>} : memref<79x2x128xi32, #tpu.memory_space<vmem>>, vector<16xi32>,
      tpu.vector_store_idx %arg11[%get3A_80], %broadcast_in_dim3A_5 {add = true} : memref<10240xf32, #tpu.memory_space<vmem>>[vector<16xi32>], vector<16xf32>,
      %get3A_81 = arith.constant 1 : i32
      %get3A_82 = arith.index_cast %scan3A_49 : i32 to index
      %get3A_83 = arith.index_cast %get3A_81 : i32 to index
      %get3A_84 = arith.constant 96 : index
      %get3A_85 = tpu.vector_load %arg8[%get3A_82, %get3A_83, %get3A_84] {strides = array<i32>} : memref<79x2x128xi32, #tpu.memory_space<vmem>>, vector<16xi32>,
      tpu.vector_store_idx %arg11[%get3A_85], %broadcast_in_dim3A_5 {add = true} : memref<10240xf32, #tpu.memory_space<vmem>>[vector<16xi32>], vector<16xf32>,
      %get3A_86 = arith.constant 1 : i32
      %get3A_87 = arith.index_cast %scan3A_49 : i32 to index
      %get3A_88 = arith.index_cast %get3A_86 : i32 to index
      %get3A_89 = arith.constant 112 : index
      %get3A_90 = tpu.vector_load %arg8[%get3A_87, %get3A_88, %get3A_89] {strides = array<i32>} : memref<79x2x128xi32, #tpu.memory_space<vmem>>, vector<16xi32>,
      tpu.vector_store_idx %arg11[%get3A_90], %broadcast_in_dim3A_5 {add = true} : memref<10240xf32, #tpu.memory_space<vmem>>[vector<16xi32>], vector<16xf32>,
    }
    %scan3A_26 = arith.constant 79 : i32
    "tpu.region"() ({
      %run_scoped3A_49 = tpu.sem_alloc : memref<!tpu.dma_semaphore, #tpu.memory_space<semaphore_mem>>
      %dma_start3A = arith.constant 0 : i32
      %dma_start3A_50 = arith.constant 0 : i32
      %dma_start3A_51 = arith.constant 0 : i32
      %dma_start3A_52 = tpu.memref_slice %arg8[%dma_start3A, %dma_start3A_50, %dma_start3A_51] : memref<79x2x128xi32, #tpu.memory_space<vmem>> -> memref<78x2x128xi32, #tpu.memory_space<vmem>>
      %dma_start3A_53 = arith.constant 79 : i32
      %dma_start3A_54 = arith.constant 0 : i32
      %dma_start3A_55 = arith.constant 0 : i32
      %dma_start3A_56 = tpu.memref_slice %arg3[%add3A, %dma_start3A_53, %dma_start3A_54, %dma_start3A_55] : memref<16x157x2x128xi32, #tpu.memory_space<hbm>> -> memref<1x78x2x128xi32, #tpu.memory_space<hbm>>
      %dma_start3A_57 = tpu.memref_squeeze %dma_start3A_56 : memref<1x78x2x128xi32, #tpu.memory_space<hbm>> -> memref<78x2x128xi32, #tpu.memory_space<hbm>>
      %dma_start3A_58 = arith.constant 0 : i32
      %dma_start3A_59 = arith.constant 0 : i32
      %dma_start3A_60 = arith.constant 0 : i32
      %dma_start3A_61 = tpu.memref_slice %arg8[%dma_start3A_58, %dma_start3A_59, %dma_start3A_60] : memref<79x2x128xi32, #tpu.memory_space<vmem>> -> memref<78x2x128xi32, #tpu.memory_space<vmem>>
      %dma_start3A_62 = arith.constant 79 : i32
      %dma_start3A_63 = arith.constant 0 : i32
      %dma_start3A_64 = arith.constant 0 : i32
      %dma_start3A_65 = tpu.memref_slice %arg3[%add3A, %dma_start3A_62, %dma_start3A_63, %dma_start3A_64] : memref<16x157x2x128xi32, #tpu.memory_space<hbm>> -> memref<1x78x2x128xi32, #tpu.memory_space<hbm>>
      %dma_start3A_66 = tpu.memref_squeeze %dma_start3A_65 : memref<1x78x2x128xi32, #tpu.memory_space<hbm>> -> memref<78x2x128xi32, #tpu.memory_space<hbm>>
      tpu.enqueue_dma source(%dma_start3A_66 : memref<78x2x128xi32, #tpu.memory_space<hbm>>) target(%dma_start3A_61 : memref<78x2x128xi32, #tpu.memory_space<vmem>>) target_semaphore(%run_scoped3A_49 : memref<!tpu.dma_semaphore, #tpu.memory_space<semaphore_mem>>)
      %dma_wait3A = arith.constant 0 : i32
      %dma_wait3A_67 = arith.constant 0 : i32
      %dma_wait3A_68 = arith.constant 0 : i32
      %dma_wait3A_69 = tpu.memref_slice %arg8[%dma_wait3A, %dma_wait3A_67, %dma_wait3A_68] : memref<79x2x128xi32, #tpu.memory_space<vmem>> -> memref<78x2x128xi32, #tpu.memory_space<vmem>>
      %dma_wait3A_70 = arith.constant 79 : i32
      %dma_wait3A_71 = arith.constant 0 : i32
      %dma_wait3A_72 = arith.constant 0 : i32
      %dma_wait3A_73 = tpu.memref_slice %arg3[%add3A, %dma_wait3A_70, %dma_wait3A_71, %dma_wait3A_72] : memref<16x157x2x128xi32, #tpu.memory_space<hbm>> -> memref<1x78x2x128xi32, #tpu.memory_space<hbm>>
      %dma_wait3A_74 = tpu.memref_squeeze %dma_wait3A_73 : memref<1x78x2x128xi32, #tpu.memory_space<hbm>> -> memref<78x2x128xi32, #tpu.memory_space<hbm>>
      %dma_wait3A_75 = arith.constant 0 : i32
      %dma_wait3A_76 = arith.constant 0 : i32
      %dma_wait3A_77 = arith.constant 0 : i32
      %dma_wait3A_78 = tpu.memref_slice %arg8[%dma_wait3A_75, %dma_wait3A_76, %dma_wait3A_77] : memref<79x2x128xi32, #tpu.memory_space<vmem>> -> memref<78x2x128xi32, #tpu.memory_space<vmem>>
      %dma_wait3A_79 = arith.constant 79 : i32
      %dma_wait3A_80 = arith.constant 0 : i32
      %dma_wait3A_81 = arith.constant 0 : i32
      %dma_wait3A_82 = tpu.memref_slice %arg3[%add3A, %dma_wait3A_79, %dma_wait3A_80, %dma_wait3A_81] : memref<16x157x2x128xi32, #tpu.memory_space<hbm>> -> memref<1x78x2x128xi32, #tpu.memory_space<hbm>>
      %dma_wait3A_83 = tpu.memref_squeeze %dma_wait3A_82 : memref<1x78x2x128xi32, #tpu.memory_space<hbm>> -> memref<78x2x128xi32, #tpu.memory_space<hbm>>
      tpu.wait_dma2 semaphore(%run_scoped3A_49 : memref<!tpu.dma_semaphore, #tpu.memory_space<semaphore_mem>>) src(%dma_wait3A_83 : memref<78x2x128xi32, #tpu.memory_space<hbm>>) dst(%dma_wait3A_78 : memref<78x2x128xi32, #tpu.memory_space<vmem>>)
      tpu.yield
    }) : () -> ()
    %scan3A_27 = arith.constant 0 : i32
    %scan3A_28 = arith.constant 0 : i32
    %scan3A_29 = arith.constant 78 : i32
    %scan3A_30 = arith.addi %scan3A_28, %scan3A_29 : i32
    %scan3A_31 = arith.constant 1 : i32
    scf.for %scan3A_49 = %scan3A_28 to %scan3A_30 step %scan3A_31  : i32 {
      %run_scoped3A_50 = arith.constant 0 : i32
      "tpu.region"() ({
        %run_scoped3A_91 = tpu.sem_alloc : memref<!tpu.dma_semaphore, #tpu.memory_space<semaphore_mem>>
        %dma_start3A = arith.constant 0 : i32
        %dma_start3A_92 = tpu.memref_slice %arg8[%scan3A_49, %run_scoped3A_50, %dma_start3A] : memref<79x2x128xi32, #tpu.memory_space<vmem>> -> memref<1x1x128xi32, #tpu.memory_space<vmem>>
        %dma_start3A_93 = tpu.memref_squeeze %dma_start3A_92 : memref<1x1x128xi32, #tpu.memory_space<vmem>> -> memref<128xi32, #tpu.memory_space<vmem>>
        %dma_start3A_94 = arith.constant 0 : i32
        %dma_start3A_95 = arith.constant 0 : i32
        %dma_start3A_96 = tpu.memref_slice %arg2[%dma_start3A_94, %dma_start3A_95] : memref<10000x128xf32, #tpu.memory_space<hbm>> -> memref<10000x128xf32, #tpu.memory_space<hbm>>
        tpu.enqueue_indirect_dma source(%dma_start3A_96 : memref<10000x128xf32, #tpu.memory_space<hbm>>) target(%arg10 : memref<128x128xf32, #tpu.memory_space<vmem>>) offsets(%dma_start3A_93 : memref<128xi32, #tpu.memory_space<vmem>>) semaphore(%run_scoped3A_91 : memref<!tpu.dma_semaphore, #tpu.memory_space<semaphore_mem>>)
        %dma_wait3A = arith.constant 0 : i32
        %dma_wait3A_97 = tpu.memref_slice %arg8[%scan3A_49, %run_scoped3A_50, %dma_wait3A] : memref<79x2x128xi32, #tpu.memory_space<vmem>> -> memref<1x1x128xi32, #tpu.memory_space<vmem>>
        %dma_wait3A_98 = tpu.memref_squeeze %dma_wait3A_97 : memref<1x1x128xi32, #tpu.memory_space<vmem>> -> memref<128xi32, #tpu.memory_space<vmem>>
        %dma_wait3A_99 = arith.constant 0 : i32
        %dma_wait3A_100 = arith.constant 0 : i32
        %dma_wait3A_101 = tpu.memref_slice %arg2[%dma_wait3A_99, %dma_wait3A_100] : memref<10000x128xf32, #tpu.memory_space<hbm>> -> memref<10000x128xf32, #tpu.memory_space<hbm>>
        tpu.wait_indirect_dma semaphore(%run_scoped3A_91 : memref<!tpu.dma_semaphore, #tpu.memory_space<semaphore_mem>>) src(%dma_wait3A_101 : memref<10000x128xf32, #tpu.memory_space<hbm>>) dst(%arg10 : memref<128x128xf32, #tpu.memory_space<vmem>>)
        tpu.yield
      }) : () -> ()
      %run_scoped3A_51 = arith.constant 1 : i32
      "tpu.region"() ({
        %run_scoped3A_91 = tpu.sem_alloc : memref<!tpu.dma_semaphore, #tpu.memory_space<semaphore_mem>>
        %dma_start3A = arith.constant 0 : i32
        %dma_start3A_92 = tpu.memref_slice %arg8[%scan3A_49, %run_scoped3A_51, %dma_start3A] : memref<79x2x128xi32, #tpu.memory_space<vmem>> -> memref<1x1x128xi32, #tpu.memory_space<vmem>>
        %dma_start3A_93 = tpu.memref_squeeze %dma_start3A_92 : memref<1x1x128xi32, #tpu.memory_space<vmem>> -> memref<128xi32, #tpu.memory_space<vmem>>
        %dma_start3A_94 = arith.constant 0 : i32
        %dma_start3A_95 = arith.constant 0 : i32
        %dma_start3A_96 = tpu.memref_slice %arg7[%dma_start3A_94, %dma_start3A_95] : memref<10240x128xf32, #tpu.memory_space<vmem_shared>> -> memref<10240x128xf32, #tpu.memory_space<vmem_shared>>
        tpu.enqueue_indirect_dma source(%arg10 : memref<128x128xf32, #tpu.memory_space<vmem>>) target(%dma_start3A_96 : memref<10240x128xf32, #tpu.memory_space<vmem_shared>>) offsets(%dma_start3A_93 : memref<128xi32, #tpu.memory_space<vmem>>) semaphore(%run_scoped3A_91 : memref<!tpu.dma_semaphore, #tpu.memory_space<semaphore_mem>>) {add = true}
        %dma_wait3A = arith.constant 0 : i32
        %dma_wait3A_97 = tpu.memref_slice %arg8[%scan3A_49, %run_scoped3A_51, %dma_wait3A] : memref<79x2x128xi32, #tpu.memory_space<vmem>> -> memref<1x1x128xi32, #tpu.memory_space<vmem>>
        %dma_wait3A_98 = tpu.memref_squeeze %dma_wait3A_97 : memref<1x1x128xi32, #tpu.memory_space<vmem>> -> memref<128xi32, #tpu.memory_space<vmem>>
        %dma_wait3A_99 = arith.constant 0 : i32
        %dma_wait3A_100 = arith.constant 0 : i32
        %dma_wait3A_101 = tpu.memref_slice %arg7[%dma_wait3A_99, %dma_wait3A_100] : memref<10240x128xf32, #tpu.memory_space<vmem_shared>> -> memref<10240x128xf32, #tpu.memory_space<vmem_shared>>
        tpu.wait_indirect_dma semaphore(%run_scoped3A_91 : memref<!tpu.dma_semaphore, #tpu.memory_space<semaphore_mem>>) src(%arg10 : memref<128x128xf32, #tpu.memory_space<vmem>>) dst(%dma_wait3A_101 : memref<10240x128xf32, #tpu.memory_space<vmem_shared>>)
        tpu.yield
      }) : () -> ()
      %get3A = arith.constant 1 : i32
      %get3A_52 = arith.index_cast %scan3A_49 : i32 to index
      %get3A_53 = arith.index_cast %get3A : i32 to index
      %get3A_54 = arith.constant 0 : index
      %get3A_55 = tpu.vector_load %arg8[%get3A_52, %get3A_53, %get3A_54] {strides = array<i32>} : memref<79x2x128xi32, #tpu.memory_space<vmem>>, vector<16xi32>,
      tpu.vector_store_idx %arg11[%get3A_55], %broadcast_in_dim3A_5 {add = true} : memref<10240xf32, #tpu.memory_space<vmem>>[vector<16xi32>], vector<16xf32>,
      %get3A_56 = arith.constant 1 : i32
      %get3A_57 = arith.index_cast %scan3A_49 : i32 to index
      %get3A_58 = arith.index_cast %get3A_56 : i32 to index
      %get3A_59 = arith.constant 16 : index
      %get3A_60 = tpu.vector_load %arg8[%get3A_57, %get3A_58, %get3A_59] {strides = array<i32>} : memref<79x2x128xi32, #tpu.memory_space<vmem>>, vector<16xi32>,
      tpu.vector_store_idx %arg11[%get3A_60], %broadcast_in_dim3A_5 {add = true} : memref<10240xf32, #tpu.memory_space<vmem>>[vector<16xi32>], vector<16xf32>,
      %get3A_61 = arith.constant 1 : i32
      %get3A_62 = arith.index_cast %scan3A_49 : i32 to index
      %get3A_63 = arith.index_cast %get3A_61 : i32 to index
      %get3A_64 = arith.constant 32 : index
      %get3A_65 = tpu.vector_load %arg8[%get3A_62, %get3A_63, %get3A_64] {strides = array<i32>} : memref<79x2x128xi32, #tpu.memory_space<vmem>>, vector<16xi32>,
      tpu.vector_store_idx %arg11[%get3A_65], %broadcast_in_dim3A_5 {add = true} : memref<10240xf32, #tpu.memory_space<vmem>>[vector<16xi32>], vector<16xf32>,
      %get3A_66 = arith.constant 1 : i32
      %get3A_67 = arith.index_cast %scan3A_49 : i32 to index
      %get3A_68 = arith.index_cast %get3A_66 : i32 to index
      %get3A_69 = arith.constant 48 : index
      %get3A_70 = tpu.vector_load %arg8[%get3A_67, %get3A_68, %get3A_69] {strides = array<i32>} : memref<79x2x128xi32, #tpu.memory_space<vmem>>, vector<16xi32>,
      tpu.vector_store_idx %arg11[%get3A_70], %broadcast_in_dim3A_5 {add = true} : memref<10240xf32, #tpu.memory_space<vmem>>[vector<16xi32>], vector<16xf32>,
      %get3A_71 = arith.constant 1 : i32
      %get3A_72 = arith.index_cast %scan3A_49 : i32 to index
      %get3A_73 = arith.index_cast %get3A_71 : i32 to index
      %get3A_74 = arith.constant 64 : index
      %get3A_75 = tpu.vector_load %arg8[%get3A_72, %get3A_73, %get3A_74] {strides = array<i32>} : memref<79x2x128xi32, #tpu.memory_space<vmem>>, vector<16xi32>,
      tpu.vector_store_idx %arg11[%get3A_75], %broadcast_in_dim3A_5 {add = true} : memref<10240xf32, #tpu.memory_space<vmem>>[vector<16xi32>], vector<16xf32>,
      %get3A_76 = arith.constant 1 : i32
      %get3A_77 = arith.index_cast %scan3A_49 : i32 to index
      %get3A_78 = arith.index_cast %get3A_76 : i32 to index
      %get3A_79 = arith.constant 80 : index
      %get3A_80 = tpu.vector_load %arg8[%get3A_77, %get3A_78, %get3A_79] {strides = array<i32>} : memref<79x2x128xi32, #tpu.memory_space<vmem>>, vector<16xi32>,
      tpu.vector_store_idx %arg11[%get3A_80], %broadcast_in_dim3A_5 {add = true} : memref<10240xf32, #tpu.memory_space<vmem>>[vector<16xi32>], vector<16xf32>,
      %get3A_81 = arith.constant 1 : i32
      %get3A_82 = arith.index_cast %scan3A_49 : i32 to index
      %get3A_83 = arith.index_cast %get3A_81 : i32 to index
      %get3A_84 = arith.constant 96 : index
      %get3A_85 = tpu.vector_load %arg8[%get3A_82, %get3A_83, %get3A_84] {strides = array<i32>} : memref<79x2x128xi32, #tpu.memory_space<vmem>>, vector<16xi32>,
      tpu.vector_store_idx %arg11[%get3A_85], %broadcast_in_dim3A_5 {add = true} : memref<10240xf32, #tpu.memory_space<vmem>>[vector<16xi32>], vector<16xf32>,
      %get3A_86 = arith.constant 1 : i32
      %get3A_87 = arith.index_cast %scan3A_49 : i32 to index
      %get3A_88 = arith.index_cast %get3A_86 : i32 to index
      %get3A_89 = arith.constant 112 : index
      %get3A_90 = tpu.vector_load %arg8[%get3A_87, %get3A_88, %get3A_89] {strides = array<i32>} : memref<79x2x128xi32, #tpu.memory_space<vmem>>, vector<16xi32>,
      tpu.vector_store_idx %arg11[%get3A_90], %broadcast_in_dim3A_5 {add = true} : memref<10240xf32, #tpu.memory_space<vmem>>[vector<16xi32>], vector<16xf32>,
    }
    %scan3A_32 = arith.constant 78 : i32
    %barrier3A_33 = arith.constant 0 : index
    tpu.barrier barrier_id(%barrier3A_33)
    "tpu.region"() ({
      %run_scoped3A_49 = tpu.sem_alloc : memref<!tpu.dma_semaphore, #tpu.memory_space<semaphore_mem>>
      %dma_start3A = arith.constant 0 : i32
      %dma_start3A_50 = tpu.memref_slice %arg6[%add3A, %dma_start3A] : memref<16x10240xf32, #tpu.memory_space<hbm>> -> memref<1x10240xf32, #tpu.memory_space<hbm>>
      %dma_start3A_51 = tpu.memref_squeeze %dma_start3A_50 : memref<1x10240xf32, #tpu.memory_space<hbm>> -> memref<10240xf32, #tpu.memory_space<hbm>>
      %dma_start3A_52 = arith.constant 0 : i32
      %dma_start3A_53 = tpu.memref_slice %arg6[%add3A, %dma_start3A_52] : memref<16x10240xf32, #tpu.memory_space<hbm>> -> memref<1x10240xf32, #tpu.memory_space<hbm>>
      %dma_start3A_54 = tpu.memref_squeeze %dma_start3A_53 : memref<1x10240xf32, #tpu.memory_space<hbm>> -> memref<10240xf32, #tpu.memory_space<hbm>>
      tpu.enqueue_dma source(%arg11 : memref<10240xf32, #tpu.memory_space<vmem>>) target(%dma_start3A_54 : memref<10240xf32, #tpu.memory_space<hbm>>) target_semaphore(%run_scoped3A_49 : memref<!tpu.dma_semaphore, #tpu.memory_space<semaphore_mem>>)
      %dma_wait3A = arith.constant 0 : i32
      %dma_wait3A_55 = tpu.memref_slice %arg6[%add3A, %dma_wait3A] : memref<16x10240xf32, #tpu.memory_space<hbm>> -> memref<1x10240xf32, #tpu.memory_space<hbm>>
      %dma_wait3A_56 = tpu.memref_squeeze %dma_wait3A_55 : memref<1x10240xf32, #tpu.memory_space<hbm>> -> memref<10240xf32, #tpu.memory_space<hbm>>
      %dma_wait3A_57 = arith.constant 0 : i32
      %dma_wait3A_58 = tpu.memref_slice %arg6[%add3A, %dma_wait3A_57] : memref<16x10240xf32, #tpu.memory_space<hbm>> -> memref<1x10240xf32, #tpu.memory_space<hbm>>
      %dma_wait3A_59 = tpu.memref_squeeze %dma_wait3A_58 : memref<1x10240xf32, #tpu.memory_space<hbm>> -> memref<10240xf32, #tpu.memory_space<hbm>>
      tpu.wait_dma2 semaphore(%run_scoped3A_49 : memref<!tpu.dma_semaphore, #tpu.memory_space<semaphore_mem>>) src(%arg11 : memref<10240xf32, #tpu.memory_space<vmem>>) dst(%dma_wait3A_59 : memref<10240xf32, #tpu.memory_space<hbm>>)
      tpu.yield
    }) : () -> ()
    %run_scoped3A_34 = arith.constant 0 : i32
    "tpu.region"() ({
      %run_scoped3A_49 = tpu.sem_alloc : memref<!tpu.dma_semaphore, #tpu.memory_space<semaphore_mem>>
      %dma_start3A = arith.constant 0 : i32
      %dma_start3A_50 = tpu.memref_slice %arg9[%run_scoped3A_34, %dma_start3A] : memref<5x128xi32, #tpu.memory_space<vmem>> -> memref<1x128xi32, #tpu.memory_space<vmem>>
      %dma_start3A_51 = tpu.memref_squeeze %dma_start3A_50 : memref<1x128xi32, #tpu.memory_space<vmem>> -> memref<128xi32, #tpu.memory_space<vmem>>
      %dma_start3A_52 = arith.constant 0 : i32
      %dma_start3A_53 = arith.constant 0 : i32
      %dma_start3A_54 = tpu.memref_slice %arg7[%dma_start3A_52, %dma_start3A_53] : memref<10240x128xf32, #tpu.memory_space<vmem_shared>> -> memref<10240x128xf32, #tpu.memory_space<vmem_shared>>
      tpu.enqueue_indirect_dma source(%dma_start3A_54 : memref<10240x128xf32, #tpu.memory_space<vmem_shared>>) target(%arg10 : memref<128x128xf32, #tpu.memory_space<vmem>>) offsets(%dma_start3A_51 : memref<128xi32, #tpu.memory_space<vmem>>) semaphore(%run_scoped3A_49 : memref<!tpu.dma_semaphore, #tpu.memory_space<semaphore_mem>>)
      %dma_wait3A = arith.constant 0 : i32
      %dma_wait3A_55 = tpu.memref_slice %arg9[%run_scoped3A_34, %dma_wait3A] : memref<5x128xi32, #tpu.memory_space<vmem>> -> memref<1x128xi32, #tpu.memory_space<vmem>>
      %dma_wait3A_56 = tpu.memref_squeeze %dma_wait3A_55 : memref<1x128xi32, #tpu.memory_space<vmem>> -> memref<128xi32, #tpu.memory_space<vmem>>
      %dma_wait3A_57 = arith.constant 0 : i32
      %dma_wait3A_58 = arith.constant 0 : i32
      %dma_wait3A_59 = tpu.memref_slice %arg7[%dma_wait3A_57, %dma_wait3A_58] : memref<10240x128xf32, #tpu.memory_space<vmem_shared>> -> memref<10240x128xf32, #tpu.memory_space<vmem_shared>>
      tpu.wait_indirect_dma semaphore(%run_scoped3A_49 : memref<!tpu.dma_semaphore, #tpu.memory_space<semaphore_mem>>) src(%dma_wait3A_59 : memref<10240x128xf32, #tpu.memory_space<vmem_shared>>) dst(%arg10 : memref<128x128xf32, #tpu.memory_space<vmem>>)
      tpu.yield
    }) : () -> ()
    %add3A_35 = arith.constant 0 : i32
    %add3A_36 = arith.addi %mul3A_2, %add3A_35 : i32
    "tpu.region"() ({
      %run_scoped3A_49 = tpu.sem_alloc : memref<!tpu.dma_semaphore, #tpu.memory_space<semaphore_mem>>
      %dma_start3A = arith.constant 0 : i32
      %dma_start3A_50 = tpu.memref_slice %arg5[%arg0, %add3A_36, %dma_start3A] : memref<1x10240x128xf32, #tpu.memory_space<hbm>> -> memref<1x128x128xf32, #tpu.memory_space<hbm>>
      %dma_start3A_51 = tpu.memref_squeeze %dma_start3A_50 : memref<1x128x128xf32, #tpu.memory_space<hbm>> -> memref<128x128xf32, #tpu.memory_space<hbm>>
      %dma_start3A_52 = arith.constant 0 : i32
      %dma_start3A_53 = tpu.memref_slice %arg5[%arg0, %add3A_36, %dma_start3A_52] : memref<1x10240x128xf32, #tpu.memory_space<hbm>> -> memref<1x128x128xf32, #tpu.memory_space<hbm>>
      %dma_start3A_54 = tpu.memref_squeeze %dma_start3A_53 : memref<1x128x128xf32, #tpu.memory_space<hbm>> -> memref<128x128xf32, #tpu.memory_space<hbm>>
      tpu.enqueue_dma source(%arg10 : memref<128x128xf32, #tpu.memory_space<vmem>>) target(%dma_start3A_54 : memref<128x128xf32, #tpu.memory_space<hbm>>) target_semaphore(%run_scoped3A_49 : memref<!tpu.dma_semaphore, #tpu.memory_space<semaphore_mem>>)
      %dma_wait3A = arith.constant 0 : i32
      %dma_wait3A_55 = tpu.memref_slice %arg5[%arg0, %add3A_36, %dma_wait3A] : memref<1x10240x128xf32, #tpu.memory_space<hbm>> -> memref<1x128x128xf32, #tpu.memory_space<hbm>>
      %dma_wait3A_56 = tpu.memref_squeeze %dma_wait3A_55 : memref<1x128x128xf32, #tpu.memory_space<hbm>> -> memref<128x128xf32, #tpu.memory_space<hbm>>
      %dma_wait3A_57 = arith.constant 0 : i32
      %dma_wait3A_58 = tpu.memref_slice %arg5[%arg0, %add3A_36, %dma_wait3A_57] : memref<1x10240x128xf32, #tpu.memory_space<hbm>> -> memref<1x128x128xf32, #tpu.memory_space<hbm>>
      %dma_wait3A_59 = tpu.memref_squeeze %dma_wait3A_58 : memref<1x128x128xf32, #tpu.memory_space<hbm>> -> memref<128x128xf32, #tpu.memory_space<hbm>>
      tpu.wait_dma2 semaphore(%run_scoped3A_49 : memref<!tpu.dma_semaphore, #tpu.memory_space<semaphore_mem>>) src(%arg10 : memref<128x128xf32, #tpu.memory_space<vmem>>) dst(%dma_wait3A_59 : memref<128x128xf32, #tpu.memory_space<hbm>>)
      tpu.yield
    }) : () -> ()
    %run_scoped3A_37 = arith.constant 1 : i32
    "tpu.region"() ({
      %run_scoped3A_49 = tpu.sem_alloc : memref<!tpu.dma_semaphore, #tpu.memory_space<semaphore_mem>>
      %dma_start3A = arith.constant 0 : i32
      %dma_start3A_50 = tpu.memref_slice %arg9[%run_scoped3A_37, %dma_start3A] : memref<5x128xi32, #tpu.memory_space<vmem>> -> memref<1x128xi32, #tpu.memory_space<vmem>>
      %dma_start3A_51 = tpu.memref_squeeze %dma_start3A_50 : memref<1x128xi32, #tpu.memory_space<vmem>> -> memref<128xi32, #tpu.memory_space<vmem>>
      %dma_start3A_52 = arith.constant 0 : i32
      %dma_start3A_53 = arith.constant 0 : i32
      %dma_start3A_54 = tpu.memref_slice %arg7[%dma_start3A_52, %dma_start3A_53] : memref<10240x128xf32, #tpu.memory_space<vmem_shared>> -> memref<10240x128xf32, #tpu.memory_space<vmem_shared>>
      tpu.enqueue_indirect_dma source(%dma_start3A_54 : memref<10240x128xf32, #tpu.memory_space<vmem_shared>>) target(%arg10 : memref<128x128xf32, #tpu.memory_space<vmem>>) offsets(%dma_start3A_51 : memref<128xi32, #tpu.memory_space<vmem>>) semaphore(%run_scoped3A_49 : memref<!tpu.dma_semaphore, #tpu.memory_space<semaphore_mem>>)
      %dma_wait3A = arith.constant 0 : i32
      %dma_wait3A_55 = tpu.memref_slice %arg9[%run_scoped3A_37, %dma_wait3A] : memref<5x128xi32, #tpu.memory_space<vmem>> -> memref<1x128xi32, #tpu.memory_space<vmem>>
      %dma_wait3A_56 = tpu.memref_squeeze %dma_wait3A_55 : memref<1x128xi32, #tpu.memory_space<vmem>> -> memref<128xi32, #tpu.memory_space<vmem>>
      %dma_wait3A_57 = arith.constant 0 : i32
      %dma_wait3A_58 = arith.constant 0 : i32
      %dma_wait3A_59 = tpu.memref_slice %arg7[%dma_wait3A_57, %dma_wait3A_58] : memref<10240x128xf32, #tpu.memory_space<vmem_shared>> -> memref<10240x128xf32, #tpu.memory_space<vmem_shared>>
      tpu.wait_indirect_dma semaphore(%run_scoped3A_49 : memref<!tpu.dma_semaphore, #tpu.memory_space<semaphore_mem>>) src(%dma_wait3A_59 : memref<10240x128xf32, #tpu.memory_space<vmem_shared>>) dst(%arg10 : memref<128x128xf32, #tpu.memory_space<vmem>>)
      tpu.yield
    }) : () -> ()
    %add3A_38 = arith.constant 128 : i32
    %add3A_39 = arith.addi %mul3A_2, %add3A_38 : i32
    "tpu.region"() ({
      %run_scoped3A_49 = tpu.sem_alloc : memref<!tpu.dma_semaphore, #tpu.memory_space<semaphore_mem>>
      %dma_start3A = arith.constant 0 : i32
      %dma_start3A_50 = tpu.memref_slice %arg5[%arg0, %add3A_39, %dma_start3A] : memref<1x10240x128xf32, #tpu.memory_space<hbm>> -> memref<1x128x128xf32, #tpu.memory_space<hbm>>
      %dma_start3A_51 = tpu.memref_squeeze %dma_start3A_50 : memref<1x128x128xf32, #tpu.memory_space<hbm>> -> memref<128x128xf32, #tpu.memory_space<hbm>>
      %dma_start3A_52 = arith.constant 0 : i32
      %dma_start3A_53 = tpu.memref_slice %arg5[%arg0, %add3A_39, %dma_start3A_52] : memref<1x10240x128xf32, #tpu.memory_space<hbm>> -> memref<1x128x128xf32, #tpu.memory_space<hbm>>
      %dma_start3A_54 = tpu.memref_squeeze %dma_start3A_53 : memref<1x128x128xf32, #tpu.memory_space<hbm>> -> memref<128x128xf32, #tpu.memory_space<hbm>>
      tpu.enqueue_dma source(%arg10 : memref<128x128xf32, #tpu.memory_space<vmem>>) target(%dma_start3A_54 : memref<128x128xf32, #tpu.memory_space<hbm>>) target_semaphore(%run_scoped3A_49 : memref<!tpu.dma_semaphore, #tpu.memory_space<semaphore_mem>>)
      %dma_wait3A = arith.constant 0 : i32
      %dma_wait3A_55 = tpu.memref_slice %arg5[%arg0, %add3A_39, %dma_wait3A] : memref<1x10240x128xf32, #tpu.memory_space<hbm>> -> memref<1x128x128xf32, #tpu.memory_space<hbm>>
      %dma_wait3A_56 = tpu.memref_squeeze %dma_wait3A_55 : memref<1x128x128xf32, #tpu.memory_space<hbm>> -> memref<128x128xf32, #tpu.memory_space<hbm>>
      %dma_wait3A_57 = arith.constant 0 : i32
      %dma_wait3A_58 = tpu.memref_slice %arg5[%arg0, %add3A_39, %dma_wait3A_57] : memref<1x10240x128xf32, #tpu.memory_space<hbm>> -> memref<1x128x128xf32, #tpu.memory_space<hbm>>
      %dma_wait3A_59 = tpu.memref_squeeze %dma_wait3A_58 : memref<1x128x128xf32, #tpu.memory_space<hbm>> -> memref<128x128xf32, #tpu.memory_space<hbm>>
      tpu.wait_dma2 semaphore(%run_scoped3A_49 : memref<!tpu.dma_semaphore, #tpu.memory_space<semaphore_mem>>) src(%arg10 : memref<128x128xf32, #tpu.memory_space<vmem>>) dst(%dma_wait3A_59 : memref<128x128xf32, #tpu.memory_space<hbm>>)
      tpu.yield
    }) : () -> ()
    %run_scoped3A_40 = arith.constant 2 : i32
    "tpu.region"() ({
      %run_scoped3A_49 = tpu.sem_alloc : memref<!tpu.dma_semaphore, #tpu.memory_space<semaphore_mem>>
      %dma_start3A = arith.constant 0 : i32
      %dma_start3A_50 = tpu.memref_slice %arg9[%run_scoped3A_40, %dma_start3A] : memref<5x128xi32, #tpu.memory_space<vmem>> -> memref<1x128xi32, #tpu.memory_space<vmem>>
      %dma_start3A_51 = tpu.memref_squeeze %dma_start3A_50 : memref<1x128xi32, #tpu.memory_space<vmem>> -> memref<128xi32, #tpu.memory_space<vmem>>
      %dma_start3A_52 = arith.constant 0 : i32
      %dma_start3A_53 = arith.constant 0 : i32
      %dma_start3A_54 = tpu.memref_slice %arg7[%dma_start3A_52, %dma_start3A_53] : memref<10240x128xf32, #tpu.memory_space<vmem_shared>> -> memref<10240x128xf32, #tpu.memory_space<vmem_shared>>
      tpu.enqueue_indirect_dma source(%dma_start3A_54 : memref<10240x128xf32, #tpu.memory_space<vmem_shared>>) target(%arg10 : memref<128x128xf32, #tpu.memory_space<vmem>>) offsets(%dma_start3A_51 : memref<128xi32, #tpu.memory_space<vmem>>) semaphore(%run_scoped3A_49 : memref<!tpu.dma_semaphore, #tpu.memory_space<semaphore_mem>>)
      %dma_wait3A = arith.constant 0 : i32
      %dma_wait3A_55 = tpu.memref_slice %arg9[%run_scoped3A_40, %dma_wait3A] : memref<5x128xi32, #tpu.memory_space<vmem>> -> memref<1x128xi32, #tpu.memory_space<vmem>>
      %dma_wait3A_56 = tpu.memref_squeeze %dma_wait3A_55 : memref<1x128xi32, #tpu.memory_space<vmem>> -> memref<128xi32, #tpu.memory_space<vmem>>
      %dma_wait3A_57 = arith.constant 0 : i32
      %dma_wait3A_58 = arith.constant 0 : i32
      %dma_wait3A_59 = tpu.memref_slice %arg7[%dma_wait3A_57, %dma_wait3A_58] : memref<10240x128xf32, #tpu.memory_space<vmem_shared>> -> memref<10240x128xf32, #tpu.memory_space<vmem_shared>>
      tpu.wait_indirect_dma semaphore(%run_scoped3A_49 : memref<!tpu.dma_semaphore, #tpu.memory_space<semaphore_mem>>) src(%dma_wait3A_59 : memref<10240x128xf32, #tpu.memory_space<vmem_shared>>) dst(%arg10 : memref<128x128xf32, #tpu.memory_space<vmem>>)
      tpu.yield
    }) : () -> ()
    %add3A_41 = arith.constant 256 : i32
    %add3A_42 = arith.addi %mul3A_2, %add3A_41 : i32
    "tpu.region"() ({
      %run_scoped3A_49 = tpu.sem_alloc : memref<!tpu.dma_semaphore, #tpu.memory_space<semaphore_mem>>
      %dma_start3A = arith.constant 0 : i32
      %dma_start3A_50 = tpu.memref_slice %arg5[%arg0, %add3A_42, %dma_start3A] : memref<1x10240x128xf32, #tpu.memory_space<hbm>> -> memref<1x128x128xf32, #tpu.memory_space<hbm>>
      %dma_start3A_51 = tpu.memref_squeeze %dma_start3A_50 : memref<1x128x128xf32, #tpu.memory_space<hbm>> -> memref<128x128xf32, #tpu.memory_space<hbm>>
      %dma_start3A_52 = arith.constant 0 : i32
      %dma_start3A_53 = tpu.memref_slice %arg5[%arg0, %add3A_42, %dma_start3A_52] : memref<1x10240x128xf32, #tpu.memory_space<hbm>> -> memref<1x128x128xf32, #tpu.memory_space<hbm>>
      %dma_start3A_54 = tpu.memref_squeeze %dma_start3A_53 : memref<1x128x128xf32, #tpu.memory_space<hbm>> -> memref<128x128xf32, #tpu.memory_space<hbm>>
      tpu.enqueue_dma source(%arg10 : memref<128x128xf32, #tpu.memory_space<vmem>>) target(%dma_start3A_54 : memref<128x128xf32, #tpu.memory_space<hbm>>) target_semaphore(%run_scoped3A_49 : memref<!tpu.dma_semaphore, #tpu.memory_space<semaphore_mem>>)
      %dma_wait3A = arith.constant 0 : i32
      %dma_wait3A_55 = tpu.memref_slice %arg5[%arg0, %add3A_42, %dma_wait3A] : memref<1x10240x128xf32, #tpu.memory_space<hbm>> -> memref<1x128x128xf32, #tpu.memory_space<hbm>>
      %dma_wait3A_56 = tpu.memref_squeeze %dma_wait3A_55 : memref<1x128x128xf32, #tpu.memory_space<hbm>> -> memref<128x128xf32, #tpu.memory_space<hbm>>
      %dma_wait3A_57 = arith.constant 0 : i32
      %dma_wait3A_58 = tpu.memref_slice %arg5[%arg0, %add3A_42, %dma_wait3A_57] : memref<1x10240x128xf32, #tpu.memory_space<hbm>> -> memref<1x128x128xf32, #tpu.memory_space<hbm>>
      %dma_wait3A_59 = tpu.memref_squeeze %dma_wait3A_58 : memref<1x128x128xf32, #tpu.memory_space<hbm>> -> memref<128x128xf32, #tpu.memory_space<hbm>>
      tpu.wait_dma2 semaphore(%run_scoped3A_49 : memref<!tpu.dma_semaphore, #tpu.memory_space<semaphore_mem>>) src(%arg10 : memref<128x128xf32, #tpu.memory_space<vmem>>) dst(%dma_wait3A_59 : memref<128x128xf32, #tpu.memory_space<hbm>>)
      tpu.yield
    }) : () -> ()
    %run_scoped3A_43 = arith.constant 3 : i32
    "tpu.region"() ({
      %run_scoped3A_49 = tpu.sem_alloc : memref<!tpu.dma_semaphore, #tpu.memory_space<semaphore_mem>>
      %dma_start3A = arith.constant 0 : i32
      %dma_start3A_50 = tpu.memref_slice %arg9[%run_scoped3A_43, %dma_start3A] : memref<5x128xi32, #tpu.memory_space<vmem>> -> memref<1x128xi32, #tpu.memory_space<vmem>>
      %dma_start3A_51 = tpu.memref_squeeze %dma_start3A_50 : memref<1x128xi32, #tpu.memory_space<vmem>> -> memref<128xi32, #tpu.memory_space<vmem>>
      %dma_start3A_52 = arith.constant 0 : i32
      %dma_start3A_53 = arith.constant 0 : i32
      %dma_start3A_54 = tpu.memref_slice %arg7[%dma_start3A_52, %dma_start3A_53] : memref<10240x128xf32, #tpu.memory_space<vmem_shared>> -> memref<10240x128xf32, #tpu.memory_space<vmem_shared>>
      tpu.enqueue_indirect_dma source(%dma_start3A_54 : memref<10240x128xf32, #tpu.memory_space<vmem_shared>>) target(%arg10 : memref<128x128xf32, #tpu.memory_space<vmem>>) offsets(%dma_start3A_51 : memref<128xi32, #tpu.memory_space<vmem>>) semaphore(%run_scoped3A_49 : memref<!tpu.dma_semaphore, #tpu.memory_space<semaphore_mem>>)
      %dma_wait3A = arith.constant 0 : i32
      %dma_wait3A_55 = tpu.memref_slice %arg9[%run_scoped3A_43, %dma_wait3A] : memref<5x128xi32, #tpu.memory_space<vmem>> -> memref<1x128xi32, #tpu.memory_space<vmem>>
      %dma_wait3A_56 = tpu.memref_squeeze %dma_wait3A_55 : memref<1x128xi32, #tpu.memory_space<vmem>> -> memref<128xi32, #tpu.memory_space<vmem>>
      %dma_wait3A_57 = arith.constant 0 : i32
      %dma_wait3A_58 = arith.constant 0 : i32
      %dma_wait3A_59 = tpu.memref_slice %arg7[%dma_wait3A_57, %dma_wait3A_58] : memref<10240x128xf32, #tpu.memory_space<vmem_shared>> -> memref<10240x128xf32, #tpu.memory_space<vmem_shared>>
      tpu.wait_indirect_dma semaphore(%run_scoped3A_49 : memref<!tpu.dma_semaphore, #tpu.memory_space<semaphore_mem>>) src(%dma_wait3A_59 : memref<10240x128xf32, #tpu.memory_space<vmem_shared>>) dst(%arg10 : memref<128x128xf32, #tpu.memory_space<vmem>>)
      tpu.yield
    }) : () -> ()
    %add3A_44 = arith.constant 384 : i32
    %add3A_45 = arith.addi %mul3A_2, %add3A_44 : i32
    "tpu.region"() ({
      %run_scoped3A_49 = tpu.sem_alloc : memref<!tpu.dma_semaphore, #tpu.memory_space<semaphore_mem>>
      %dma_start3A = arith.constant 0 : i32
      %dma_start3A_50 = tpu.memref_slice %arg5[%arg0, %add3A_45, %dma_start3A] : memref<1x10240x128xf32, #tpu.memory_space<hbm>> -> memref<1x128x128xf32, #tpu.memory_space<hbm>>
      %dma_start3A_51 = tpu.memref_squeeze %dma_start3A_50 : memref<1x128x128xf32, #tpu.memory_space<hbm>> -> memref<128x128xf32, #tpu.memory_space<hbm>>
      %dma_start3A_52 = arith.constant 0 : i32
      %dma_start3A_53 = tpu.memref_slice %arg5[%arg0, %add3A_45, %dma_start3A_52] : memref<1x10240x128xf32, #tpu.memory_space<hbm>> -> memref<1x128x128xf32, #tpu.memory_space<hbm>>
      %dma_start3A_54 = tpu.memref_squeeze %dma_start3A_53 : memref<1x128x128xf32, #tpu.memory_space<hbm>> -> memref<128x128xf32, #tpu.memory_space<hbm>>
      tpu.enqueue_dma source(%arg10 : memref<128x128xf32, #tpu.memory_space<vmem>>) target(%dma_start3A_54 : memref<128x128xf32, #tpu.memory_space<hbm>>) target_semaphore(%run_scoped3A_49 : memref<!tpu.dma_semaphore, #tpu.memory_space<semaphore_mem>>)
      %dma_wait3A = arith.constant 0 : i32
      %dma_wait3A_55 = tpu.memref_slice %arg5[%arg0, %add3A_45, %dma_wait3A] : memref<1x10240x128xf32, #tpu.memory_space<hbm>> -> memref<1x128x128xf32, #tpu.memory_space<hbm>>
      %dma_wait3A_56 = tpu.memref_squeeze %dma_wait3A_55 : memref<1x128x128xf32, #tpu.memory_space<hbm>> -> memref<128x128xf32, #tpu.memory_space<hbm>>
      %dma_wait3A_57 = arith.constant 0 : i32
      %dma_wait3A_58 = tpu.memref_slice %arg5[%arg0, %add3A_45, %dma_wait3A_57] : memref<1x10240x128xf32, #tpu.memory_space<hbm>> -> memref<1x128x128xf32, #tpu.memory_space<hbm>>
      %dma_wait3A_59 = tpu.memref_squeeze %dma_wait3A_58 : memref<1x128x128xf32, #tpu.memory_space<hbm>> -> memref<128x128xf32, #tpu.memory_space<hbm>>
      tpu.wait_dma2 semaphore(%run_scoped3A_49 : memref<!tpu.dma_semaphore, #tpu.memory_space<semaphore_mem>>) src(%arg10 : memref<128x128xf32, #tpu.memory_space<vmem>>) dst(%dma_wait3A_59 : memref<128x128xf32, #tpu.memory_space<hbm>>)
      tpu.yield
    }) : () -> ()
    %run_scoped3A_46 = arith.constant 4 : i32
    "tpu.region"() ({
      %run_scoped3A_49 = tpu.sem_alloc : memref<!tpu.dma_semaphore, #tpu.memory_space<semaphore_mem>>
      %dma_start3A = arith.constant 0 : i32
      %dma_start3A_50 = tpu.memref_slice %arg9[%run_scoped3A_46, %dma_start3A] : memref<5x128xi32, #tpu.memory_space<vmem>> -> memref<1x128xi32, #tpu.memory_space<vmem>>
      %dma_start3A_51 = tpu.memref_squeeze %dma_start3A_50 : memref<1x128xi32, #tpu.memory_space<vmem>> -> memref<128xi32, #tpu.memory_space<vmem>>
      %dma_start3A_52 = arith.constant 0 : i32
      %dma_start3A_53 = arith.constant 0 : i32
      %dma_start3A_54 = tpu.memref_slice %arg7[%dma_start3A_52, %dma_start3A_53] : memref<10240x128xf32, #tpu.memory_space<vmem_shared>> -> memref<10240x128xf32, #tpu.memory_space<vmem_shared>>
      tpu.enqueue_indirect_dma source(%dma_start3A_54 : memref<10240x128xf32, #tpu.memory_space<vmem_shared>>) target(%arg10 : memref<128x128xf32, #tpu.memory_space<vmem>>) offsets(%dma_start3A_51 : memref<128xi32, #tpu.memory_space<vmem>>) semaphore(%run_scoped3A_49 : memref<!tpu.dma_semaphore, #tpu.memory_space<semaphore_mem>>)
      %dma_wait3A = arith.constant 0 : i32
      %dma_wait3A_55 = tpu.memref_slice %arg9[%run_scoped3A_46, %dma_wait3A] : memref<5x128xi32, #tpu.memory_space<vmem>> -> memref<1x128xi32, #tpu.memory_space<vmem>>
      %dma_wait3A_56 = tpu.memref_squeeze %dma_wait3A_55 : memref<1x128xi32, #tpu.memory_space<vmem>> -> memref<128xi32, #tpu.memory_space<vmem>>
      %dma_wait3A_57 = arith.constant 0 : i32
      %dma_wait3A_58 = arith.constant 0 : i32
      %dma_wait3A_59 = tpu.memref_slice %arg7[%dma_wait3A_57, %dma_wait3A_58] : memref<10240x128xf32, #tpu.memory_space<vmem_shared>> -> memref<10240x128xf32, #tpu.memory_space<vmem_shared>>
      tpu.wait_indirect_dma semaphore(%run_scoped3A_49 : memref<!tpu.dma_semaphore, #tpu.memory_space<semaphore_mem>>) src(%dma_wait3A_59 : memref<10240x128xf32, #tpu.memory_space<vmem_shared>>) dst(%arg10 : memref<128x128xf32, #tpu.memory_space<vmem>>)
      tpu.yield
    }) : () -> ()
    %add3A_47 = arith.constant 512 : i32
    %add3A_48 = arith.addi %mul3A_2, %add3A_47 : i32
    "tpu.region"() ({
      %run_scoped3A_49 = tpu.sem_alloc : memref<!tpu.dma_semaphore, #tpu.memory_space<semaphore_mem>>
      %dma_start3A = arith.constant 0 : i32
      %dma_start3A_50 = tpu.memref_slice %arg5[%arg0, %add3A_48, %dma_start3A] : memref<1x10240x128xf32, #tpu.memory_space<hbm>> -> memref<1x128x128xf32, #tpu.memory_space<hbm>>
      %dma_start3A_51 = tpu.memref_squeeze %dma_start3A_50 : memref<1x128x128xf32, #tpu.memory_space<hbm>> -> memref<128x128xf32, #tpu.memory_space<hbm>>
      %dma_start3A_52 = arith.constant 0 : i32
      %dma_start3A_53 = tpu.memref_slice %arg5[%arg0, %add3A_48, %dma_start3A_52] : memref<1x10240x128xf32, #tpu.memory_space<hbm>> -> memref<1x128x128xf32, #tpu.memory_space<hbm>>
      %dma_start3A_54 = tpu.memref_squeeze %dma_start3A_53 : memref<1x128x128xf32, #tpu.memory_space<hbm>> -> memref<128x128xf32, #tpu.memory_space<hbm>>
      tpu.enqueue_dma source(%arg10 : memref<128x128xf32, #tpu.memory_space<vmem>>) target(%dma_start3A_54 : memref<128x128xf32, #tpu.memory_space<hbm>>) target_semaphore(%run_scoped3A_49 : memref<!tpu.dma_semaphore, #tpu.memory_space<semaphore_mem>>)
      %dma_wait3A = arith.constant 0 : i32
      %dma_wait3A_55 = tpu.memref_slice %arg5[%arg0, %add3A_48, %dma_wait3A] : memref<1x10240x128xf32, #tpu.memory_space<hbm>> -> memref<1x128x128xf32, #tpu.memory_space<hbm>>
      %dma_wait3A_56 = tpu.memref_squeeze %dma_wait3A_55 : memref<1x128x128xf32, #tpu.memory_space<hbm>> -> memref<128x128xf32, #tpu.memory_space<hbm>>
      %dma_wait3A_57 = arith.constant 0 : i32
      %dma_wait3A_58 = tpu.memref_slice %arg5[%arg0, %add3A_48, %dma_wait3A_57] : memref<1x10240x128xf32, #tpu.memory_space<hbm>> -> memref<1x128x128xf32, #tpu.memory_space<hbm>>
      %dma_wait3A_59 = tpu.memref_squeeze %dma_wait3A_58 : memref<1x128x128xf32, #tpu.memory_space<hbm>> -> memref<128x128xf32, #tpu.memory_space<hbm>>
      tpu.wait_dma2 semaphore(%run_scoped3A_49 : memref<!tpu.dma_semaphore, #tpu.memory_space<semaphore_mem>>) src(%arg10 : memref<128x128xf32, #tpu.memory_space<vmem>>) dst(%dma_wait3A_59 : memref<128x128xf32, #tpu.memory_space<hbm>>)
      tpu.yield
    }) : () -> ()
    return
  }
}

module attributes {stable_mosaic.version = 14 : i64} {
  func.func @_tc_body(%arg0: i32, %arg1: memref<1x400x128xf32, #tpu.memory_space<vmem>>, %arg2: memref<16x400x1xf32, #tpu.memory_space<vmem>>, %arg3: memref<400x1xi32, #tpu.memory_space<vmem>>, %arg4: memref<400x128xf32, #tpu.memory_space<vmem>>, %arg5: memref<12x128x128xf32, #tpu.memory_space<vmem>>, %arg6: memref<12x128xf32, #tpu.memory_space<vmem>>, %arg7: memref<400x128xf32, #tpu.memory_space<vmem>>) attributes {dimension_semantics = [#tpu.dimension_semantics<arbitrary>], iteration_bounds = array<i64: 25>, scalar_prefetch = 0 : i64, scratch_operands = 0 : i64, tpu.core_type = #tpu.core_type<tc>, window_params = [{transform_indices = @transform_0, window_bounds = array<i64: 1, 400, 128>}, {transform_indices = @transform_1, window_bounds = array<i64: 16, 400, 1>}, {transform_indices = @transform_2, window_bounds = array<i64: 400, 1>}, {transform_indices = @transform_3, window_bounds = array<i64: 400, 128>}, {pipeline_mode = #tpu.pipeline_mode<synchronous>, transform_indices = @transform_4, window_bounds = array<i64: 12, 128, 128>}, {pipeline_mode = #tpu.pipeline_mode<synchronous>, transform_indices = @transform_5, window_bounds = array<i64: 12, 128>}, {transform_indices = @transform_6, window_bounds = array<i64: 400, 128>}]} {
    %get3A = arith.constant 0 : index
    %get3A_0 = arith.constant 0 : index
    %get3A_1 = arith.constant 0 : index
    %get3A_2 = vector.load %arg1[%get3A, %get3A_0, %get3A_1] : memref<1x400x128xf32, #tpu.memory_space<vmem>>, vector<1x400x128xf32>
    %reduce_sum3A = arith.constant dense<0.000000e+00> : vector<400x128xf32>
    %reduce_sum3A_3 = vector.multi_reduction <add>, %get3A_2, %reduce_sum3A [0] : vector<1x400x128xf32> to vector<400x128xf32>
    %get3A_4 = arith.constant 0 : index
    %get3A_5 = arith.constant 0 : index
    %get3A_6 = arith.constant 0 : index
    %get3A_7 = vector.load %arg2[%get3A_4, %get3A_5, %get3A_6] : memref<16x400x1xf32, #tpu.memory_space<vmem>>, vector<16x400x1xf32>
    %reduce_sum3A_8 = arith.constant dense<0.000000e+00> : vector<400x1xf32>
    %reduce_sum3A_9 = vector.multi_reduction <add>, %get3A_7, %reduce_sum3A_8 [0] : vector<16x400x1xf32> to vector<400x1xf32>
    %max3A = arith.constant 1.000000e+00 : f32
    %max3A_10 = vector.broadcast %max3A : f32 to vector<400x1xf32>
    %max3A_11 = arith.maximumf %reduce_sum3A_9, %max3A_10 : vector<400x1xf32>
    %div3A = vector.broadcast %max3A_11 : vector<400x1xf32> to vector<400x128xf32>
    %div3A_12 = arith.divf %reduce_sum3A_3, %div3A : vector<400x128xf32>
    %get3A_13 = arith.constant 0 : index
    %get3A_14 = arith.constant 0 : index
    %get3A_15 = vector.load %arg3[%get3A_13, %get3A_14] : memref<400x1xi32, #tpu.memory_space<vmem>>, vector<400x1xi32>
    %get3A_16 = arith.constant 0 : index
    %get3A_17 = arith.constant 0 : index
    %get3A_18 = vector.load %arg4[%get3A_16, %get3A_17] : memref<400x128xf32, #tpu.memory_space<vmem>>, vector<400x128xf32>
    %get3A_19 = arith.constant 0 : index
    %get3A_20 = arith.constant 0 : index
    %get3A_21 = arith.constant 0 : index
    %get3A_22 = vector.load %arg5[%get3A_19, %get3A_20, %get3A_21] : memref<12x128x128xf32, #tpu.memory_space<vmem>>, vector<1x128x128xf32>
    %get3A_23 = vector.shape_cast %get3A_22 : vector<1x128x128xf32> to vector<128x128xf32>
    %dot_general3A = arith.constant dense<0.000000e+00> : vector<400x128xf32>
    %dot_general3A_24 = tpu.matmul %div3A_12, %get3A_23, %dot_general3A {dimension_numbers = #tpu.dot_dimension_numbers<[1], [1], [0], [0], [0, 0, 1, 0], [], []>, transpose_lhs_hint = false} : vector<400x128xf32>, vector<128x128xf32>, vector<400x128xf32> -> vector<400x128xf32>
    %get3A_25 = arith.constant 0 : index
    %get3A_26 = arith.constant 0 : index
    %get3A_27 = vector.load %arg6[%get3A_25, %get3A_26] : memref<12x128xf32, #tpu.memory_space<vmem>>, vector<1x128xf32>
    %get3A_28 = vector.shape_cast %get3A_27 : vector<1x128xf32> to vector<128xf32>
    %broadcast_in_dim3A = vector.shape_cast %get3A_28 : vector<128xf32> to vector<1x128xf32>
    %add3A = vector.broadcast %broadcast_in_dim3A : vector<1x128xf32> to vector<400x128xf32>
    %add3A_29 = arith.addf %dot_general3A_24, %add3A : vector<400x128xf32>
    %eq3A = arith.constant 0 : i32
    %eq3A_30 = vector.broadcast %eq3A : i32 to vector<400x1xi32>
    %eq3A_31 = arith.cmpi eq, %get3A_15, %eq3A_30 : vector<400x1xi32>
    %broadcast_in_dim3A_32 = vector.shape_cast %eq3A_31 : vector<400x1xi1> to vector<400x1xi1>
    %broadcast_in_dim3A_33 = vector.broadcast %broadcast_in_dim3A_32 : vector<400x1xi1> to vector<400x128xi1>
    %select_n3A = arith.select %broadcast_in_dim3A_33, %add3A_29, %get3A_18 : vector<400x128xi1>, vector<400x128xf32>
    %get3A_34 = arith.constant 1 : index
    %get3A_35 = arith.constant 0 : index
    %get3A_36 = arith.constant 0 : index
    %get3A_37 = vector.load %arg5[%get3A_34, %get3A_35, %get3A_36] : memref<12x128x128xf32, #tpu.memory_space<vmem>>, vector<1x128x128xf32>
    %get3A_38 = vector.shape_cast %get3A_37 : vector<1x128x128xf32> to vector<128x128xf32>
    %dot_general3A_39 = arith.constant dense<0.000000e+00> : vector<400x128xf32>
    %dot_general3A_40 = tpu.matmul %div3A_12, %get3A_38, %dot_general3A_39 {dimension_numbers = #tpu.dot_dimension_numbers<[1], [1], [0], [0], [0, 0, 1, 0], [], []>, transpose_lhs_hint = false} : vector<400x128xf32>, vector<128x128xf32>, vector<400x128xf32> -> vector<400x128xf32>
    %get3A_41 = arith.constant 1 : index
    %get3A_42 = arith.constant 0 : index
    %get3A_43 = vector.load %arg6[%get3A_41, %get3A_42] : memref<12x128xf32, #tpu.memory_space<vmem>>, vector<1x128xf32>
    %get3A_44 = vector.shape_cast %get3A_43 : vector<1x128xf32> to vector<128xf32>
    %broadcast_in_dim3A_45 = vector.shape_cast %get3A_44 : vector<128xf32> to vector<1x128xf32>
    %add3A_46 = vector.broadcast %broadcast_in_dim3A_45 : vector<1x128xf32> to vector<400x128xf32>
    %add3A_47 = arith.addf %dot_general3A_40, %add3A_46 : vector<400x128xf32>
    %eq3A_48 = arith.constant 1 : i32
    %eq3A_49 = vector.broadcast %eq3A_48 : i32 to vector<400x1xi32>
    %eq3A_50 = arith.cmpi eq, %get3A_15, %eq3A_49 : vector<400x1xi32>
    %broadcast_in_dim3A_51 = vector.shape_cast %eq3A_50 : vector<400x1xi1> to vector<400x1xi1>
    %broadcast_in_dim3A_52 = vector.broadcast %broadcast_in_dim3A_51 : vector<400x1xi1> to vector<400x128xi1>
    %select_n3A_53 = arith.select %broadcast_in_dim3A_52, %add3A_47, %select_n3A : vector<400x128xi1>, vector<400x128xf32>
    %get3A_54 = arith.constant 2 : index
    %get3A_55 = arith.constant 0 : index
    %get3A_56 = arith.constant 0 : index
    %get3A_57 = vector.load %arg5[%get3A_54, %get3A_55, %get3A_56] : memref<12x128x128xf32, #tpu.memory_space<vmem>>, vector<1x128x128xf32>
    %get3A_58 = vector.shape_cast %get3A_57 : vector<1x128x128xf32> to vector<128x128xf32>
    %dot_general3A_59 = arith.constant dense<0.000000e+00> : vector<400x128xf32>
    %dot_general3A_60 = tpu.matmul %div3A_12, %get3A_58, %dot_general3A_59 {dimension_numbers = #tpu.dot_dimension_numbers<[1], [1], [0], [0], [0, 0, 1, 0], [], []>, transpose_lhs_hint = false} : vector<400x128xf32>, vector<128x128xf32>, vector<400x128xf32> -> vector<400x128xf32>
    %get3A_61 = arith.constant 2 : index
    %get3A_62 = arith.constant 0 : index
    %get3A_63 = vector.load %arg6[%get3A_61, %get3A_62] : memref<12x128xf32, #tpu.memory_space<vmem>>, vector<1x128xf32>
    %get3A_64 = vector.shape_cast %get3A_63 : vector<1x128xf32> to vector<128xf32>
    %broadcast_in_dim3A_65 = vector.shape_cast %get3A_64 : vector<128xf32> to vector<1x128xf32>
    %add3A_66 = vector.broadcast %broadcast_in_dim3A_65 : vector<1x128xf32> to vector<400x128xf32>
    %add3A_67 = arith.addf %dot_general3A_60, %add3A_66 : vector<400x128xf32>
    %eq3A_68 = arith.constant 2 : i32
    %eq3A_69 = vector.broadcast %eq3A_68 : i32 to vector<400x1xi32>
    %eq3A_70 = arith.cmpi eq, %get3A_15, %eq3A_69 : vector<400x1xi32>
    %broadcast_in_dim3A_71 = vector.shape_cast %eq3A_70 : vector<400x1xi1> to vector<400x1xi1>
    %broadcast_in_dim3A_72 = vector.broadcast %broadcast_in_dim3A_71 : vector<400x1xi1> to vector<400x128xi1>
    %select_n3A_73 = arith.select %broadcast_in_dim3A_72, %add3A_67, %select_n3A_53 : vector<400x128xi1>, vector<400x128xf32>
    %get3A_74 = arith.constant 3 : index
    %get3A_75 = arith.constant 0 : index
    %get3A_76 = arith.constant 0 : index
    %get3A_77 = vector.load %arg5[%get3A_74, %get3A_75, %get3A_76] : memref<12x128x128xf32, #tpu.memory_space<vmem>>, vector<1x128x128xf32>
    %get3A_78 = vector.shape_cast %get3A_77 : vector<1x128x128xf32> to vector<128x128xf32>
    %dot_general3A_79 = arith.constant dense<0.000000e+00> : vector<400x128xf32>
    %dot_general3A_80 = tpu.matmul %div3A_12, %get3A_78, %dot_general3A_79 {dimension_numbers = #tpu.dot_dimension_numbers<[1], [1], [0], [0], [0, 0, 1, 0], [], []>, transpose_lhs_hint = false} : vector<400x128xf32>, vector<128x128xf32>, vector<400x128xf32> -> vector<400x128xf32>
    %get3A_81 = arith.constant 3 : index
    %get3A_82 = arith.constant 0 : index
    %get3A_83 = vector.load %arg6[%get3A_81, %get3A_82] : memref<12x128xf32, #tpu.memory_space<vmem>>, vector<1x128xf32>
    %get3A_84 = vector.shape_cast %get3A_83 : vector<1x128xf32> to vector<128xf32>
    %broadcast_in_dim3A_85 = vector.shape_cast %get3A_84 : vector<128xf32> to vector<1x128xf32>
    %add3A_86 = vector.broadcast %broadcast_in_dim3A_85 : vector<1x128xf32> to vector<400x128xf32>
    %add3A_87 = arith.addf %dot_general3A_80, %add3A_86 : vector<400x128xf32>
    %eq3A_88 = arith.constant 3 : i32
    %eq3A_89 = vector.broadcast %eq3A_88 : i32 to vector<400x1xi32>
    %eq3A_90 = arith.cmpi eq, %get3A_15, %eq3A_89 : vector<400x1xi32>
    %broadcast_in_dim3A_91 = vector.shape_cast %eq3A_90 : vector<400x1xi1> to vector<400x1xi1>
    %broadcast_in_dim3A_92 = vector.broadcast %broadcast_in_dim3A_91 : vector<400x1xi1> to vector<400x128xi1>
    %select_n3A_93 = arith.select %broadcast_in_dim3A_92, %add3A_87, %select_n3A_73 : vector<400x128xi1>, vector<400x128xf32>
    %get3A_94 = arith.constant 4 : index
    %get3A_95 = arith.constant 0 : index
    %get3A_96 = arith.constant 0 : index
    %get3A_97 = vector.load %arg5[%get3A_94, %get3A_95, %get3A_96] : memref<12x128x128xf32, #tpu.memory_space<vmem>>, vector<1x128x128xf32>
    %get3A_98 = vector.shape_cast %get3A_97 : vector<1x128x128xf32> to vector<128x128xf32>
    %dot_general3A_99 = arith.constant dense<0.000000e+00> : vector<400x128xf32>
    %dot_general3A_100 = tpu.matmul %div3A_12, %get3A_98, %dot_general3A_99 {dimension_numbers = #tpu.dot_dimension_numbers<[1], [1], [0], [0], [0, 0, 1, 0], [], []>, transpose_lhs_hint = false} : vector<400x128xf32>, vector<128x128xf32>, vector<400x128xf32> -> vector<400x128xf32>
    %get3A_101 = arith.constant 4 : index
    %get3A_102 = arith.constant 0 : index
    %get3A_103 = vector.load %arg6[%get3A_101, %get3A_102] : memref<12x128xf32, #tpu.memory_space<vmem>>, vector<1x128xf32>
    %get3A_104 = vector.shape_cast %get3A_103 : vector<1x128xf32> to vector<128xf32>
    %broadcast_in_dim3A_105 = vector.shape_cast %get3A_104 : vector<128xf32> to vector<1x128xf32>
    %add3A_106 = vector.broadcast %broadcast_in_dim3A_105 : vector<1x128xf32> to vector<400x128xf32>
    %add3A_107 = arith.addf %dot_general3A_100, %add3A_106 : vector<400x128xf32>
    %eq3A_108 = arith.constant 4 : i32
    %eq3A_109 = vector.broadcast %eq3A_108 : i32 to vector<400x1xi32>
    %eq3A_110 = arith.cmpi eq, %get3A_15, %eq3A_109 : vector<400x1xi32>
    %broadcast_in_dim3A_111 = vector.shape_cast %eq3A_110 : vector<400x1xi1> to vector<400x1xi1>
    %broadcast_in_dim3A_112 = vector.broadcast %broadcast_in_dim3A_111 : vector<400x1xi1> to vector<400x128xi1>
    %select_n3A_113 = arith.select %broadcast_in_dim3A_112, %add3A_107, %select_n3A_93 : vector<400x128xi1>, vector<400x128xf32>
    %get3A_114 = arith.constant 5 : index
    %get3A_115 = arith.constant 0 : index
    %get3A_116 = arith.constant 0 : index
    %get3A_117 = vector.load %arg5[%get3A_114, %get3A_115, %get3A_116] : memref<12x128x128xf32, #tpu.memory_space<vmem>>, vector<1x128x128xf32>
    %get3A_118 = vector.shape_cast %get3A_117 : vector<1x128x128xf32> to vector<128x128xf32>
    %dot_general3A_119 = arith.constant dense<0.000000e+00> : vector<400x128xf32>
    %dot_general3A_120 = tpu.matmul %div3A_12, %get3A_118, %dot_general3A_119 {dimension_numbers = #tpu.dot_dimension_numbers<[1], [1], [0], [0], [0, 0, 1, 0], [], []>, transpose_lhs_hint = false} : vector<400x128xf32>, vector<128x128xf32>, vector<400x128xf32> -> vector<400x128xf32>
    %get3A_121 = arith.constant 5 : index
    %get3A_122 = arith.constant 0 : index
    %get3A_123 = vector.load %arg6[%get3A_121, %get3A_122] : memref<12x128xf32, #tpu.memory_space<vmem>>, vector<1x128xf32>
    %get3A_124 = vector.shape_cast %get3A_123 : vector<1x128xf32> to vector<128xf32>
    %broadcast_in_dim3A_125 = vector.shape_cast %get3A_124 : vector<128xf32> to vector<1x128xf32>
    %add3A_126 = vector.broadcast %broadcast_in_dim3A_125 : vector<1x128xf32> to vector<400x128xf32>
    %add3A_127 = arith.addf %dot_general3A_120, %add3A_126 : vector<400x128xf32>
    %eq3A_128 = arith.constant 5 : i32
    %eq3A_129 = vector.broadcast %eq3A_128 : i32 to vector<400x1xi32>
    %eq3A_130 = arith.cmpi eq, %get3A_15, %eq3A_129 : vector<400x1xi32>
    %broadcast_in_dim3A_131 = vector.shape_cast %eq3A_130 : vector<400x1xi1> to vector<400x1xi1>
    %broadcast_in_dim3A_132 = vector.broadcast %broadcast_in_dim3A_131 : vector<400x1xi1> to vector<400x128xi1>
    %select_n3A_133 = arith.select %broadcast_in_dim3A_132, %add3A_127, %select_n3A_113 : vector<400x128xi1>, vector<400x128xf32>
    %get3A_134 = arith.constant 6 : index
    %get3A_135 = arith.constant 0 : index
    %get3A_136 = arith.constant 0 : index
    %get3A_137 = vector.load %arg5[%get3A_134, %get3A_135, %get3A_136] : memref<12x128x128xf32, #tpu.memory_space<vmem>>, vector<1x128x128xf32>
    %get3A_138 = vector.shape_cast %get3A_137 : vector<1x128x128xf32> to vector<128x128xf32>
    %dot_general3A_139 = arith.constant dense<0.000000e+00> : vector<400x128xf32>
    %dot_general3A_140 = tpu.matmul %div3A_12, %get3A_138, %dot_general3A_139 {dimension_numbers = #tpu.dot_dimension_numbers<[1], [1], [0], [0], [0, 0, 1, 0], [], []>, transpose_lhs_hint = false} : vector<400x128xf32>, vector<128x128xf32>, vector<400x128xf32> -> vector<400x128xf32>
    %get3A_141 = arith.constant 6 : index
    %get3A_142 = arith.constant 0 : index
    %get3A_143 = vector.load %arg6[%get3A_141, %get3A_142] : memref<12x128xf32, #tpu.memory_space<vmem>>, vector<1x128xf32>
    %get3A_144 = vector.shape_cast %get3A_143 : vector<1x128xf32> to vector<128xf32>
    %broadcast_in_dim3A_145 = vector.shape_cast %get3A_144 : vector<128xf32> to vector<1x128xf32>
    %add3A_146 = vector.broadcast %broadcast_in_dim3A_145 : vector<1x128xf32> to vector<400x128xf32>
    %add3A_147 = arith.addf %dot_general3A_140, %add3A_146 : vector<400x128xf32>
    %eq3A_148 = arith.constant 6 : i32
    %eq3A_149 = vector.broadcast %eq3A_148 : i32 to vector<400x1xi32>
    %eq3A_150 = arith.cmpi eq, %get3A_15, %eq3A_149 : vector<400x1xi32>
    %broadcast_in_dim3A_151 = vector.shape_cast %eq3A_150 : vector<400x1xi1> to vector<400x1xi1>
    %broadcast_in_dim3A_152 = vector.broadcast %broadcast_in_dim3A_151 : vector<400x1xi1> to vector<400x128xi1>
    %select_n3A_153 = arith.select %broadcast_in_dim3A_152, %add3A_147, %select_n3A_133 : vector<400x128xi1>, vector<400x128xf32>
    %get3A_154 = arith.constant 7 : index
    %get3A_155 = arith.constant 0 : index
    %get3A_156 = arith.constant 0 : index
    %get3A_157 = vector.load %arg5[%get3A_154, %get3A_155, %get3A_156] : memref<12x128x128xf32, #tpu.memory_space<vmem>>, vector<1x128x128xf32>
    %get3A_158 = vector.shape_cast %get3A_157 : vector<1x128x128xf32> to vector<128x128xf32>
    %dot_general3A_159 = arith.constant dense<0.000000e+00> : vector<400x128xf32>
    %dot_general3A_160 = tpu.matmul %div3A_12, %get3A_158, %dot_general3A_159 {dimension_numbers = #tpu.dot_dimension_numbers<[1], [1], [0], [0], [0, 0, 1, 0], [], []>, transpose_lhs_hint = false} : vector<400x128xf32>, vector<128x128xf32>, vector<400x128xf32> -> vector<400x128xf32>
    %get3A_161 = arith.constant 7 : index
    %get3A_162 = arith.constant 0 : index
    %get3A_163 = vector.load %arg6[%get3A_161, %get3A_162] : memref<12x128xf32, #tpu.memory_space<vmem>>, vector<1x128xf32>
    %get3A_164 = vector.shape_cast %get3A_163 : vector<1x128xf32> to vector<128xf32>
    %broadcast_in_dim3A_165 = vector.shape_cast %get3A_164 : vector<128xf32> to vector<1x128xf32>
    %add3A_166 = vector.broadcast %broadcast_in_dim3A_165 : vector<1x128xf32> to vector<400x128xf32>
    %add3A_167 = arith.addf %dot_general3A_160, %add3A_166 : vector<400x128xf32>
    %eq3A_168 = arith.constant 7 : i32
    %eq3A_169 = vector.broadcast %eq3A_168 : i32 to vector<400x1xi32>
    %eq3A_170 = arith.cmpi eq, %get3A_15, %eq3A_169 : vector<400x1xi32>
    %broadcast_in_dim3A_171 = vector.shape_cast %eq3A_170 : vector<400x1xi1> to vector<400x1xi1>
    %broadcast_in_dim3A_172 = vector.broadcast %broadcast_in_dim3A_171 : vector<400x1xi1> to vector<400x128xi1>
    %select_n3A_173 = arith.select %broadcast_in_dim3A_172, %add3A_167, %select_n3A_153 : vector<400x128xi1>, vector<400x128xf32>
    %get3A_174 = arith.constant 8 : index
    %get3A_175 = arith.constant 0 : index
    %get3A_176 = arith.constant 0 : index
    %get3A_177 = vector.load %arg5[%get3A_174, %get3A_175, %get3A_176] : memref<12x128x128xf32, #tpu.memory_space<vmem>>, vector<1x128x128xf32>
    %get3A_178 = vector.shape_cast %get3A_177 : vector<1x128x128xf32> to vector<128x128xf32>
    %dot_general3A_179 = arith.constant dense<0.000000e+00> : vector<400x128xf32>
    %dot_general3A_180 = tpu.matmul %div3A_12, %get3A_178, %dot_general3A_179 {dimension_numbers = #tpu.dot_dimension_numbers<[1], [1], [0], [0], [0, 0, 1, 0], [], []>, transpose_lhs_hint = false} : vector<400x128xf32>, vector<128x128xf32>, vector<400x128xf32> -> vector<400x128xf32>
    %get3A_181 = arith.constant 8 : index
    %get3A_182 = arith.constant 0 : index
    %get3A_183 = vector.load %arg6[%get3A_181, %get3A_182] : memref<12x128xf32, #tpu.memory_space<vmem>>, vector<1x128xf32>
    %get3A_184 = vector.shape_cast %get3A_183 : vector<1x128xf32> to vector<128xf32>
    %broadcast_in_dim3A_185 = vector.shape_cast %get3A_184 : vector<128xf32> to vector<1x128xf32>
    %add3A_186 = vector.broadcast %broadcast_in_dim3A_185 : vector<1x128xf32> to vector<400x128xf32>
    %add3A_187 = arith.addf %dot_general3A_180, %add3A_186 : vector<400x128xf32>
    %eq3A_188 = arith.constant 8 : i32
    %eq3A_189 = vector.broadcast %eq3A_188 : i32 to vector<400x1xi32>
    %eq3A_190 = arith.cmpi eq, %get3A_15, %eq3A_189 : vector<400x1xi32>
    %broadcast_in_dim3A_191 = vector.shape_cast %eq3A_190 : vector<400x1xi1> to vector<400x1xi1>
    %broadcast_in_dim3A_192 = vector.broadcast %broadcast_in_dim3A_191 : vector<400x1xi1> to vector<400x128xi1>
    %select_n3A_193 = arith.select %broadcast_in_dim3A_192, %add3A_187, %select_n3A_173 : vector<400x128xi1>, vector<400x128xf32>
    %get3A_194 = arith.constant 9 : index
    %get3A_195 = arith.constant 0 : index
    %get3A_196 = arith.constant 0 : index
    %get3A_197 = vector.load %arg5[%get3A_194, %get3A_195, %get3A_196] : memref<12x128x128xf32, #tpu.memory_space<vmem>>, vector<1x128x128xf32>
    %get3A_198 = vector.shape_cast %get3A_197 : vector<1x128x128xf32> to vector<128x128xf32>
    %dot_general3A_199 = arith.constant dense<0.000000e+00> : vector<400x128xf32>
    %dot_general3A_200 = tpu.matmul %div3A_12, %get3A_198, %dot_general3A_199 {dimension_numbers = #tpu.dot_dimension_numbers<[1], [1], [0], [0], [0, 0, 1, 0], [], []>, transpose_lhs_hint = false} : vector<400x128xf32>, vector<128x128xf32>, vector<400x128xf32> -> vector<400x128xf32>
    %get3A_201 = arith.constant 9 : index
    %get3A_202 = arith.constant 0 : index
    %get3A_203 = vector.load %arg6[%get3A_201, %get3A_202] : memref<12x128xf32, #tpu.memory_space<vmem>>, vector<1x128xf32>
    %get3A_204 = vector.shape_cast %get3A_203 : vector<1x128xf32> to vector<128xf32>
    %broadcast_in_dim3A_205 = vector.shape_cast %get3A_204 : vector<128xf32> to vector<1x128xf32>
    %add3A_206 = vector.broadcast %broadcast_in_dim3A_205 : vector<1x128xf32> to vector<400x128xf32>
    %add3A_207 = arith.addf %dot_general3A_200, %add3A_206 : vector<400x128xf32>
    %eq3A_208 = arith.constant 9 : i32
    %eq3A_209 = vector.broadcast %eq3A_208 : i32 to vector<400x1xi32>
    %eq3A_210 = arith.cmpi eq, %get3A_15, %eq3A_209 : vector<400x1xi32>
    %broadcast_in_dim3A_211 = vector.shape_cast %eq3A_210 : vector<400x1xi1> to vector<400x1xi1>
    %broadcast_in_dim3A_212 = vector.broadcast %broadcast_in_dim3A_211 : vector<400x1xi1> to vector<400x128xi1>
    %select_n3A_213 = arith.select %broadcast_in_dim3A_212, %add3A_207, %select_n3A_193 : vector<400x128xi1>, vector<400x128xf32>
    %get3A_214 = arith.constant 10 : index
    %get3A_215 = arith.constant 0 : index
    %get3A_216 = arith.constant 0 : index
    %get3A_217 = vector.load %arg5[%get3A_214, %get3A_215, %get3A_216] : memref<12x128x128xf32, #tpu.memory_space<vmem>>, vector<1x128x128xf32>
    %get3A_218 = vector.shape_cast %get3A_217 : vector<1x128x128xf32> to vector<128x128xf32>
    %dot_general3A_219 = arith.constant dense<0.000000e+00> : vector<400x128xf32>
    %dot_general3A_220 = tpu.matmul %div3A_12, %get3A_218, %dot_general3A_219 {dimension_numbers = #tpu.dot_dimension_numbers<[1], [1], [0], [0], [0, 0, 1, 0], [], []>, transpose_lhs_hint = false} : vector<400x128xf32>, vector<128x128xf32>, vector<400x128xf32> -> vector<400x128xf32>
    %get3A_221 = arith.constant 10 : index
    %get3A_222 = arith.constant 0 : index
    %get3A_223 = vector.load %arg6[%get3A_221, %get3A_222] : memref<12x128xf32, #tpu.memory_space<vmem>>, vector<1x128xf32>
    %get3A_224 = vector.shape_cast %get3A_223 : vector<1x128xf32> to vector<128xf32>
    %broadcast_in_dim3A_225 = vector.shape_cast %get3A_224 : vector<128xf32> to vector<1x128xf32>
    %add3A_226 = vector.broadcast %broadcast_in_dim3A_225 : vector<1x128xf32> to vector<400x128xf32>
    %add3A_227 = arith.addf %dot_general3A_220, %add3A_226 : vector<400x128xf32>
    %eq3A_228 = arith.constant 10 : i32
    %eq3A_229 = vector.broadcast %eq3A_228 : i32 to vector<400x1xi32>
    %eq3A_230 = arith.cmpi eq, %get3A_15, %eq3A_229 : vector<400x1xi32>
    %broadcast_in_dim3A_231 = vector.shape_cast %eq3A_230 : vector<400x1xi1> to vector<400x1xi1>
    %broadcast_in_dim3A_232 = vector.broadcast %broadcast_in_dim3A_231 : vector<400x1xi1> to vector<400x128xi1>
    %select_n3A_233 = arith.select %broadcast_in_dim3A_232, %add3A_227, %select_n3A_213 : vector<400x128xi1>, vector<400x128xf32>
    %get3A_234 = arith.constant 11 : index
    %get3A_235 = arith.constant 0 : index
    %get3A_236 = arith.constant 0 : index
    %get3A_237 = vector.load %arg5[%get3A_234, %get3A_235, %get3A_236] : memref<12x128x128xf32, #tpu.memory_space<vmem>>, vector<1x128x128xf32>
    %get3A_238 = vector.shape_cast %get3A_237 : vector<1x128x128xf32> to vector<128x128xf32>
    %dot_general3A_239 = arith.constant dense<0.000000e+00> : vector<400x128xf32>
    %dot_general3A_240 = tpu.matmul %div3A_12, %get3A_238, %dot_general3A_239 {dimension_numbers = #tpu.dot_dimension_numbers<[1], [1], [0], [0], [0, 0, 1, 0], [], []>, transpose_lhs_hint = false} : vector<400x128xf32>, vector<128x128xf32>, vector<400x128xf32> -> vector<400x128xf32>
    %get3A_241 = arith.constant 11 : index
    %get3A_242 = arith.constant 0 : index
    %get3A_243 = vector.load %arg6[%get3A_241, %get3A_242] : memref<12x128xf32, #tpu.memory_space<vmem>>, vector<1x128xf32>
    %get3A_244 = vector.shape_cast %get3A_243 : vector<1x128xf32> to vector<128xf32>
    %broadcast_in_dim3A_245 = vector.shape_cast %get3A_244 : vector<128xf32> to vector<1x128xf32>
    %add3A_246 = vector.broadcast %broadcast_in_dim3A_245 : vector<1x128xf32> to vector<400x128xf32>
    %add3A_247 = arith.addf %dot_general3A_240, %add3A_246 : vector<400x128xf32>
    %eq3A_248 = arith.constant 11 : i32
    %eq3A_249 = vector.broadcast %eq3A_248 : i32 to vector<400x1xi32>
    %eq3A_250 = arith.cmpi eq, %get3A_15, %eq3A_249 : vector<400x1xi32>
    %broadcast_in_dim3A_251 = vector.shape_cast %eq3A_250 : vector<400x1xi1> to vector<400x1xi1>
    %broadcast_in_dim3A_252 = vector.broadcast %broadcast_in_dim3A_251 : vector<400x1xi1> to vector<400x128xi1>
    %select_n3A_253 = arith.select %broadcast_in_dim3A_252, %add3A_247, %select_n3A_233 : vector<400x128xi1>, vector<400x128xf32>
    %swap3A = arith.constant 0 : index
    %swap3A_254 = arith.constant 0 : index
    %swap3A_255 = vector.load %arg7[%swap3A, %swap3A_254] : memref<400x128xf32, #tpu.memory_space<vmem>>, vector<400x128xf32>
    tpu.vector_store %arg7[%swap3A, %swap3A_254], %select_n3A_253 {strides = array<i32>} : memref<400x128xf32, #tpu.memory_space<vmem>>, vector<400x128xf32>,
    return
  }
  func.func @transform_0(%arg0: i32) -> (i32, i32, i32) {
    %c0_i32 = arith.constant 0 : i32
    %c0_i32_0 = arith.constant 0 : i32
    %c0_i32_1 = arith.constant 0 : i32
    return %c0_i32, %arg0, %c0_i32_0 : i32, i32, i32
  }
  func.func @transform_1(%arg0: i32) -> (i32, i32, i32) {
    %c0_i32 = arith.constant 0 : i32
    %c0_i32_0 = arith.constant 0 : i32
    %c0_i32_1 = arith.constant 0 : i32
    return %c0_i32, %arg0, %c0_i32_0 : i32, i32, i32
  }
  func.func @transform_2(%arg0: i32) -> (i32, i32) {
    %c0_i32 = arith.constant 0 : i32
    %c0_i32_0 = arith.constant 0 : i32
    return %arg0, %c0_i32 : i32, i32
  }
  func.func @transform_3(%arg0: i32) -> (i32, i32) {
    %c0_i32 = arith.constant 0 : i32
    %c0_i32_0 = arith.constant 0 : i32
    return %arg0, %c0_i32 : i32, i32
  }
  func.func @transform_4(%arg0: i32) -> (i32, i32, i32) {
    %c0_i32 = arith.constant 0 : i32
    %c0_i32_0 = arith.constant 0 : i32
    %c0_i32_1 = arith.constant 0 : i32
    %c0_i32_2 = arith.constant 0 : i32
    return %c0_i32, %c0_i32_0, %c0_i32_1 : i32, i32, i32
  }
  func.func @transform_5(%arg0: i32) -> (i32, i32) {
    %c0_i32 = arith.constant 0 : i32
    %c0_i32_0 = arith.constant 0 : i32
    %c0_i32_1 = arith.constant 0 : i32
    return %c0_i32, %c0_i32_0 : i32, i32
  }
  func.func @transform_6(%arg0: i32) -> (i32, i32) {
    %c0_i32 = arith.constant 0 : i32
    %c0_i32_0 = arith.constant 0 : i32
    return %arg0, %c0_i32 : i32, i32
  }
}

</mosaic_0001>

<sc_bundles>
// kernel: kernel.4.cloned.1.call-start
scs
__scs_entry_jumppad:
0x0: {  	(pc) =	sbr.rel $0x88, $3  }
0x1: {  	(tag) =	ssettag $0x0;
	lr =	simm.s32 $0x1  }
0x2: {  	[smem:$0x3F9B] =	sst lr;
	_ =	strace $0xD0000000  }
0x3: {  	_ = 	snop  }
0x4: {  	_ = 	snop  }
0x5: {  	_ = 	snop  }
0x6: {  	_ = 	snop  }
0x7: {  	_ = 	snop  }
__scs_overlays_trampoline_lowered:
0x8: {  	[smem:$0x3FAA] =	sst s0  }
0x9: {  	[smem:$0x3FAB] =	sst s1  }
0xa: {  	[smem:$0x3FAC] =	sst s2  }
0xb: {  	[smem:$0x3FAD] =	sst s3  }
0xc: {  	[smem:$0x3FAE] =	sst s4  }
0xd: {  	[smem:$0x3FAF] =	sst s5  }
0xe: {  	[smem:$0x3FB0] =	sst s6  }
0xf: {  	[smem:$0x3FB1] =	sst s7  }
0x10: {  	[smem:$0x3FB2] =	sst s8  }
0x11: {  	[smem:$0x3FB3] =	sst s9;
	s0 =	simm.s32 @!p0 $0x0  }
0x12: {  	s1 =	sld [smem:$0x3F99];
	s0 =	simm.s32 @p0 $0x1  }
0x13: {  	[smem:$0x3FB4] =	sst s0;
	s0 =	simm.s32 @!p1 $0x0  }
0x14: {  	s2 =	sld [smem:$0x3F98];
	s0 =	simm.s32 @p1 $0x1  }
0x15: {  	[smem:$0x3FB5] =	sst s0;
	s0 =	simm.s32 @!p2 $0x0  }
0x16: {  	s3 =	sld [smem:$0x3FDB];
	s0 =	simm.s32 @p2 $0x1  }
0x17: {  	s4 =	simm.s32 $0x1BF5;
	[smem:$0x3FB7] =	sst s0  }
0x18: {  	s0 =	sld [smem:$0x3F9A];
	_ =	swait.ge [sflag:s4], $0x0  }
0x19: {  	s7 =	sld [smem:$0x3F9B]  }
0x1a: {  	s8 =	sadd.s32 $0xFFFFE003, lr  }
0x1b: {  	s9 =	sadd.s32 $0xFFFFFEF7, lr;
	s5 =	simm.s32 $0xFFFFFFFF;
	p2 =	slt.u32 s8, $0xFFFFF086  }
0x1c: {  	p1 =	slt.u32 s9, $0xF7A;
	s5 =	simm.s32 @!p2 $0x0  }
0x1d: {  	s5 =	simm.s32 @p1 $0x1;
	p0 =	seq.s32 s7, s2  }
0x1e: {  	s7 =	smul.u32 @!p0 $0xF7A, s2;
	p2 =	seq.s32 @!p0 s5, $0x0  }
0x1f: {  	s9 =	smul.u32 $0xF7A, s1;
	s8 =	simm.s32 @!p0 $0x1BF5;
	p2 =	por !p2, p0  }
0x20: {  	[sflag:s8] =	ssyncset.s32 @!p0 $0xFFFFF086;
	s6 =	sadd.s32 @!p0 s3, s7;
	s7 =	simm.s32 @!p0 $0x108  }
0x21: {  	s3 =	sadd.s32 s3, s9;
	s6 =	sadd.s32 @!p0 $0x88, s6;
	s7 =	simm.s32 @p2 $0x1082  }
0x22: {  	[simem:s7], [sflag:s8] =	dma.local @!p0 [hbm:s6], $0xF7A  }
0x23: {  	s9 =	sor.u32 $0xD0000000, s2;
	s6 =	simm.s32 $0x108;
	_ =	swait.ge @!p0 [sflag:s8], $0x0  }
0x24: {  	s3 =	sadd.s32 $0x88, s3;
	s6 =	simm.s32 @!p1 $0x1082;
	[sflag:s4] =	ssyncset.s32 $0xFFFFF086  }
0x25: {  	[simem:s6], [sflag:s4] =	dma.local [hbm:s3], $0xF7A  }
0x26: {  	[smem:$0x3F9B] =	sst s1;
	(tag) =	ssettag s2;
	_ =	strace s9  }
0x27: {  	s1 =	sld [smem:$0x3FAB]  }
0x28: {  	s2 =	sld [smem:$0x3FAC]  }
0x29: {  	s4 =	sld [smem:$0x3FAE]  }
0x2a: {  	p0 =	seq.s32 s5, $0x0;
	s5 =	sld [smem:$0x3FAF]  }
0x2b: {  	s6 =	sld [smem:$0x3FB0]  }
0x2c: {  	s7 =	sld [smem:$0x3FB1]  }
0x2d: {  	s3 =	simm.s32 $0x108;
	s8 =	sld [smem:$0x3FB2]  }
0x2e: {  	s3 =	simm.s32 @!p0 $0x1082;
	s9 =	sld [smem:$0x3FB3]  }
0x2f: {  	lr =	sadd.s32 s0, s3;
	s0 =	sld [smem:$0x3FAA]  }
0x30: {  	s3 =	sld [smem:$0x3FAD]  }
0x31: {  	[smem:$0x3FB6] =	sst s10  }
0x32: {  	s10 =	sld [smem:$0x3FB4];
	_ =	sdelay $0x3  }
0x33: {  	p0 =	seq.s32 s10, $0x1;
	s10 =	sld [smem:$0x3FB6];
	_ =	sdelay $0x3  }
0x34: {  	[smem:$0x3FB6] =	sst s10  }
0x35: {  	s10 =	sld [smem:$0x3FB5];
	_ =	sdelay $0x3  }
0x36: {  	p1 =	seq.s32 s10, $0x1;
	s10 =	sld [smem:$0x3FB6];
	_ =	sdelay $0x3  }
0x37: {  	[smem:$0x3FB6] =	sst s10  }
0x38: {  	s10 =	sld [smem:$0x3FB7]  }
0x39: {  	_ = 	snop;
	(pc) =	sbr.ind lr, $3  }
0x3a: {  	_ = 	snop  }
0x3b: {  	_ = 	snop  }
0x3c: {  	p2 =	seq.s32 s10, $0x1;
	s10 =	sld [smem:$0x3FB6]  }
0x3d: {  	_ =	shalt  }
0x3e: {  	_ =	shalt  }
0x3f: {  	_ =	shalt  }
0x40: {  	_ =	shalt  }
0x41: {  	_ =	shalt  }
0x42: {  	_ =	shalt  }
0x43: {  	_ =	shalt  }
0x44: {  	_ =	shalt  }
0x45: {  	_ =	shalt  }
0x46: {  	_ =	shalt  }
0x47: {  	_ =	shalt  }
0x48: {  	_ =	shalt  }
0x49: {  	_ =	shalt  }
0x4a: {  	_ =	shalt  }
0x4b: {  	_ =	shalt  }
0x4c: {  	_ =	shalt  }
0x4d: {  	_ =	shalt  }
0x4e: {  	_ =	shalt  }
0x4f: {  	_ =	shalt  }
0x50: {  	_ =	shalt  }
0x51: {  	_ =	shalt  }
0x52: {  	_ =	shalt  }
0x53: {  	_ =	shalt  }
0x54: {  	_ =	shalt  }
0x55: {  	_ =	shalt  }
0x56: {  	_ =	shalt  }
0x57: {  	_ =	shalt  }
0x58: {  	_ =	shalt  }
0x59: {  	_ =	shalt  }
0x5a: {  	_ =	shalt  }
0x5b: {  	_ =	shalt  }
0x5c: {  	_ =	shalt  }
0x5d: {  	_ =	shalt  }
0x5e: {  	_ =	shalt  }
0x5f: {  	_ =	shalt  }
0x60: {  	_ =	shalt  }
0x61: {  	_ =	shalt  }
0x62: {  	_ =	shalt  }
0x63: {  	_ =	shalt  }
0x64: {  	_ =	shalt  }
0x65: {  	_ =	shalt  }
0x66: {  	_ =	shalt  }
0x67: {  	_ =	shalt  }
0x68: {  	_ =	shalt  }
0x69: {  	_ =	shalt  }
0x6a: {  	_ =	shalt  }
0x6b: {  	_ =	shalt  }
0x6c: {  	_ =	shalt  }
0x6d: {  	_ =	shalt  }
0x6e: {  	_ =	shalt  }
0x6f: {  	_ =	shalt  }
0x70: {  	_ =	shalt  }
0x71: {  	_ =	shalt  }
0x72: {  	_ =	shalt  }
0x73: {  	_ =	shalt  }
0x74: {  	_ =	shalt  }
0x75: {  	_ =	shalt  }
0x76: {  	_ =	shalt  }
0x77: {  	_ =	shalt  }
0x78: {  	_ =	shalt  }
0x79: {  	_ =	shalt  }
0x7a: {  	_ =	shalt  }
0x7b: {  	_ =	shalt  }
0x7c: {  	_ =	shalt  }
0x7d: {  	_ =	shalt  }
0x7e: {  	_ =	shalt  }
0x7f: {  	_ =	shalt  }
0x80: {  	_ =	shalt  }
0x81: {  	_ =	shalt  }
0x82: {  	_ =	shalt  }
0x83: {  	_ =	shalt  }
0x84: {  	_ =	shalt  }
0x85: {  	_ =	shalt  }
0x86: {  	_ =	shalt  }
0x87: {  	_ =	shalt  }
.Lfunc_end0:
.L_simem_size_0:
called_computation_lowered:
.L_overlay_start_0:
0x88: {  	s0 =	sld [smem:$0x3FD9]  }
0x89: {  	s1 =	sld [smem:$0x3FFE];
	_ =	sdelay $0x3  }
0x8a: {  	s0 =	sadd.s32 s1, s0  }
0x8b: {  	[smem:$0x3FC2] =	sst s0  }
0x8c: {  	_ = 	snop  }
0x8d: {  	s0 =	sld [smem:$0x3FC9]  }
0x8e: {  	s16 =	sld [smem:$0x3FD0];
	(tm) =	ssettm $0x1  }
0x8f: {  	s2 =	sld [smem:$0x3FFB];
	_ =	sdelay $0x3  }
0x90: {  	_ =	strace s2  }
0x91: {  	s2 =	sld [smem:$0x3FFC];
	_ =	sdelay $0x3  }
0x92: {  	_ =	strace s2  }
0x93: {  	s2 =	sld [smem:$0x3FFD];
	_ =	sdelay $0x3  }
0x94: {  	_ =	strace s2  }
0x95: {  	_ =	strace $0x8FFFFFFF  }
0x96: {  	s17 =	sld [smem:$0x3FDB];
	_ =	sdelay $0x1  }
0x97: {  	s3 =	simm.s32 $_scs_section_size  }
0x98: {  	s4 =	simm.s32 $_size__tile_overlayer_lowered;
	s5 =	simm.s32 $_tile_overlayer_lowered  }
0x99: {  	s20 =	simm.s32 $0x1BFF;
	s19 =	sshll.u32 s5, $0x1;
	s2 =	sadd.s32 s3, s17  }
0x9a: {  	s6 =	simm.s32 $0x0;
	s18 =	sshll.u32 s4, $0x1;
	s4 =	sadd.s32 s19, s2  }
0x9b: {  	[timem:s6], [sflag:s20] =	dma.local [hbm:s4], s18  }
0x9c: {  	_ =	swait.ge [sflag:s20], s18  }
0x9d: {  	s3 =	ssub.s32 $0x0, s18;
	[sflag:s20] =	ssyncset.done $0x0  }
0x9e: {  	[sflag:s20] =	ssyncadd.s32 s3;
	_ =	sdelay $0x1  }
0x9f: {  	s21 =	simm.s32 $0x1B8B  }
0xa0: {  	_ =	swait.ge [sflag:s21], $0x1  }
0xa1: {  	[sflag:s21] =	ssyncset.done $0x0  }
0xa2: {  	s23 =	simm.s32 $0x1B8E;
	s22 =	sld [smem:$0x3FFE];
	[sflag:s21] =	ssyncadd.s32 $0xFFFFFFFF  }
0xa3: {  	s24 =	simm.s32 $execute0_lowered;
	[smem:$0x3FD2] =	sst s23  }
0xa4: {  	s4 =	sshll.u32 s24, $0x1;
	_ =	strace $0x80000046;
	[dreg:$0x1] =	wrdreg $0xFFFFFFFF  }
0xa5: {  	s25 =	simm.s32 $_size_execute0_lowered;
	s2 =	sadd.s32 s2, s4;
	[dreg:$0x0] =	wrdreg $0x0  }
0xa6: {  	s4 =	sshll.u32 s25, $0x1;
	[dreg:$0x2] =	wrdreg s2  }
0xa7: {  	[dreg:$0x3] =	wrdreg s4  }
0xa8: {  	[dreg:$0x4] =	wrdreg $0xC0  }
0xa9: {  	_ =	task [dreg:s6], $0x5FFFF  }
0xaa: {  	[dreg:$0x1] =	wrdreg $0xFFFFFFFF  }
0xab: {  	[dreg:$0x0] =	wrdreg $0x60  }
0xac: {  	[dreg:$0x2] =	wrdreg s0  }
0xad: {  	[dreg:$0x3] =	wrdreg s16  }
0xae: {  	[dreg:$0x4] =	wrdreg s22  }
0xaf: {  	[dreg:$0x5] =	wrdreg $0x0  }
0xb0: {  	[dreg:$0x6] =	wrdreg $0x9  }
0xb1: {  	_ =	task.clear_ibuf [dreg:s6], $0x7FFFF;
	_ =	strace $0x90000046  }
0xb2: {  	s26 =	simm.s32 $0x9;
	_ =	strace $0x80000048  }
0xb3: {  	_ =	swait.ge [sflag:s26], $0x1  }
0xb4: {  	[sflag:s26] =	ssyncadd.s32 $0xFFFFFFFF  }
0xb5: {  	_ =	strace $0x90000048  }
0xb6: {  	_ =	sfence  }
0xb7: {  	s28 =	sld [smem:$0x0];
	_ =	sdelay $0x1  }
0xb8: {  	s29 =	srdreg.scid  }
0xb9: {  	s30 =	sshll.u32 s29, $0xD;
	s31 =	sshrl.u32 s29, $0x2  }
0xba: {  	s1 =	sand.u32 $0x1, s29;
	s2 =	sand.u32 $0x4000, s30;
	s0 =	sadd.s32 s31, s28  }
0xbb: {  	s1 =	sor.u32 s2, s1;
	s0 =	sshll.u32 s0, $0x11  }
0xbc: {  	s0 =	sor.u32 s0, s1  }
0xbd: {  	s0 =	sadd.s32 $0x8F2B, s0  }
0xbe: {  	[sflag:s0] =	ssyncadd.remote.s32 $0x1  }
0xbf: {  	_ =	sfence.sel $0xFFFF  }
0xc0: {  	[dreg:$0x0] =	wrdreg $0xFFFFFFFF;
	(pc) =	sbr.abs _section_cstart, $3  }
0xc1: {  	[dreg:$0x1] =	wrdreg $0xFFFFFFFF  }
0xc2: {  	_ =	task.clear_ibuf [dreg:s6], $0x2FFFF;
	_ =	strace $0x9FFFFFFF  }
0xc3: {  	(tm) =	ssettm $0x7FFFFFFF  }
tec
execute0_lowered:
.L_overlay_start_1:
0x0: {  	(tag) =	ssettag $0x1  }
0x1: {  	s4 =	rddreg [dreg:$0x0]  }
0x2: {  	s7 =	rddreg [dreg:$0x1]  }
0x3: {  	s5 =	rddreg [dreg:$0x2]  }
0x4: {  	s2 =	rddreg [dreg:$0x3];
	s1 =	simm.s32 $0x0  }
0x5: {  	[smem:$0x7FF] =	sst s1;
	s1 =	stileid.u32  }
0x6: {  	s0 =	rddreg [dreg:$0x4];
	s10 =	simm.s32 $0x200;
	s6 =	sshll.u32 s1, $0x7  }
0x7: {  	s3 =	sadd.s32 $0x6E00, s5;
	_ =	strace $0x80000047;
	s8 =	sadd.s32 s6, s5  }
0x8: {  	v0 =	vimm.f32 $0.0e+00;
	s5 =	sadd.s32 $0x1E00, s5;
	s9 =	sadd.s32 $0x1600, s8;
	s8 =	simm.s32 $0x0  }
.LBB2_1:
0x9: {  	p0 =	sne.s32 s10, $0xFE00;
	[tilespmem:s8+$0x19370] =	vst v0  }
0xa: {  	[tilespmem:s8+$0x19300] =	vst v0  }
0xb: {  	[tilespmem:s8+$0x19310] =	vst v0  }
.Ltmp0:
0xc: {  	[tilespmem:s8+$0x19320] =	vst v0;
	(pc) =	sbr.rel @p0 .LBB2_1-.Ltmp0, $4  }
0xd: {  	[tilespmem:s8+$0x19330] =	vst v0  }
0xe: {  	[tilespmem:s8+$0x19340] =	vst v0  }
0xf: {  	[tilespmem:s8+$0x19350] =	vst v0  }
0x10: {  	[tilespmem:s8+$0x19360] =	vst v0;
	s8 =	sshra.s32 s10, $0x2;
	s10 =	sadd.s32 $0x200, s10  }
0x11: {  	[tilespmem:s8+$0x19370] =	vst v0  }
0x12: {  	[tilespmem:s8+$0x19300] =	vst v0  }
0x13: {  	[tilespmem:s8+$0x19310] =	vst v0  }
0x14: {  	[tilespmem:s8+$0x19320] =	vst v0  }
0x15: {  	[tilespmem:s8+$0x19330] =	vst v0  }
0x16: {  	[tilespmem:s8+$0x19340] =	vst v0  }
0x17: {  	[tilespmem:s8+$0x19350] =	vst v0  }
0x18: {  	[tilespmem:s8+$0x19360] =	vst v0;
	v0 =	vimm.f32 $0.0e+00;
	s8 =	simm.s32 $0x40;
	s10 =	simm.s32 $0x0  }
.LBB2_3:
0x19: {  	p0 =	sne.s32 s8, $0x9FC0;
	[tilespmem:s10+$0x1D300] =	vst v0;
	s10 =	smov.u32 s8;
	s8 =	sadd.s32 $0x40, s8  }
.Ltmp1:
0x1a: {  	(pc) =	sbr.rel @p0 .LBB2_3-.Ltmp1, $2  }
0x1b: {  	_ =	sdelay $0x2  }
0x1c: {  	s10 =	sshra.s32 s10, $0x2  }
0x1d: {  	[tilespmem:s10+$0x1D300] =	vst v0;
	s8 =	simm.s32 $0x0;
	s12 =	simm.s32 $0x18F00  }
0x1e: {  	[tilespmem:s12], [sflag:$0x1] =	stream.linear.gather [hbm4b:s9+s8], $0x280, $0x38;
	[tilespmem:$0x1FB00] =	vst v63  }
0x1f: {  	s9 =	simm.s32 $0x1  }
0x20: {  	_ =	swait.ge [sflag:s9], $0x280  }
0x21: {  	[sflag:s9] =	ssyncset.done $0x0  }
0x22: {  	s10 =	simm.s32 $0x80;
	s11 =	simm.s32 $0x19300;
	[sflag:s9] =	ssyncadd.s32 $0xFFFFFD80  }
0x23: {  	[spmem:s2] =	stream.indirect.scatter [tilespmem:s11], [sflag:$0x1], $0x80, s12, s10, $0xb8;
	[tilespmem:$0x1FB00] =	vst v63  }
0x24: {  	_ =	swait.ge [sflag:s9], $0x4000  }
0x25: {  	[sflag:s9] =	ssyncset.done $0x0  }
0x26: {  	s25 =	simm.s32 $0x18F80;
	[sflag:s9] =	ssyncadd.s32 $0xFFFFC000  }
0x27: {  	[spmem:s2] =	stream.indirect.scatter [tilespmem:s11], [sflag:$0x1], $0x80, s25, s10, $0xb8;
	[tilespmem:$0x1FB00] =	vst v63  }
0x28: {  	_ =	swait.ge [sflag:s9], $0x4000  }
0x29: {  	[sflag:s9] =	ssyncset.done $0x0  }
0x2a: {  	s26 =	simm.s32 $0x19000;
	[sflag:s9] =	ssyncadd.s32 $0xFFFFC000  }
0x2b: {  	[spmem:s2] =	stream.indirect.scatter [tilespmem:s11], [sflag:$0x1], $0x80, s26, s10, $0xb8;
	[tilespmem:$0x1FB00] =	vst v63  }
0x2c: {  	_ =	swait.ge [sflag:s9], $0x4000  }
0x2d: {  	[sflag:s9] =	ssyncset.done $0x0  }
0x2e: {  	s28 =	simm.s32 $0x19080;
	[sflag:s9] =	ssyncadd.s32 $0xFFFFC000  }
0x2f: {  	[spmem:s2] =	stream.indirect.scatter [tilespmem:s11], [sflag:$0x1], $0x80, s28, s10, $0xb8;
	[tilespmem:$0x1FB00] =	vst v63  }
0x30: {  	_ =	swait.ge [sflag:s9], $0x4000  }
0x31: {  	[sflag:s9] =	ssyncset.done $0x0  }
0x32: {  	s29 =	simm.s32 $0x19100;
	[sflag:s9] =	ssyncadd.s32 $0xFFFFC000  }
0x33: {  	[spmem:s2] =	stream.indirect.scatter [tilespmem:s11], [sflag:$0x1], $0x80, s29, s10, $0xb8;
	[tilespmem:$0x1FB00] =	vst v63  }
0x34: {  	s30 =	smul.u32 $0x9D00, s1;
	_ =	swait.ge [sflag:s9], $0x4000  }
0x35: {  	[sflag:s9] =	ssyncset.done $0x0  }
0x36: {  	s12 =	sshrl.u32 s30, $0x3;
	[sflag:s9] =	ssyncadd.s32 $0xFFFFC000  }
0x37: {  	s31 =	simm.s32 $0x14000;
	s7 =	sadd.s32 s7, s12;
	[bflag:$0x0] =	sbarrier.arrive $0xFFFF  }
0x38: {  	[tilespmem:s31], [sflag:$0x1] =	stream.linear.gather [hbm4b:s7+s8], $0x4F00, $0x38;
	[tilespmem:$0x1FB00] =	vst v63  }
0x39: {  	_ =	swait.ge [sflag:s9], $0x4F00  }
0x3a: {  	[sflag:s9] =	ssyncset.done $0x0  }
0x3b: {  	v0 =	vimm.f32 $1.000000000e+00;
	s12 =	simm.s32 $0x1D300;
	[sflag:s9] =	ssyncadd.s32 $0xFFFFB100  }
.LBB2_5:
0x3c: {  	s13 =	sshra.s32 s8, $0x2  }
0x3d: {  	s14 =	sadd.s32 $0x14000, s13  }
0x3e: {  	[tilespmem:s11], [sflag:$0x1] =	stream.indirect.gather [hbm4b:s4+s10], $0x80, s14, s10, $0xb8;
	[tilespmem:$0x1FB00] =	vst v63  }
0x3f: {  	_ =	swait.ge [sflag:s9], $0x4000  }
0x40: {  	[sflag:s9] =	ssyncset.done $0x0  }
0x41: {  	s31 =	sadd.s32 $0x14080, s13;
	[sflag:s9] =	ssyncadd.s32 $0xFFFFC000  }
0x42: {  	[spmem:s2] =	stream.indirect.scatter.add.f32 [tilespmem:s11], [sflag:$0x1], $0x80, s31, s10, $0xb8;
	[tilespmem:$0x1FB00] =	vst v63  }
0x43: {  	_ =	swait.ge [sflag:s9], $0x4000  }
0x44: {  	[sflag:s9] =	ssyncset.done $0x0  }
0x45: {  	[sflag:s9] =	ssyncadd.s32 $0xFFFFC000  }
0x46: {  	v1 =	vld [tilespmem:s13+$0x14080];
	_ =	sdelay $0x7  }
0x47: {  	[tilespmem:v1+s12+$0x0] =	vst.idx.add.f32.msk $0xffff, v0  }
0x48: {  	v1 =	vld [tilespmem:s13+$0x14090];
	_ =	sdelay $0x7  }
0x49: {  	[tilespmem:v1+s12+$0x0] =	vst.idx.add.f32.msk $0xffff, v0  }
0x4a: {  	v1 =	vld [tilespmem:s13+$0x140A0];
	_ =	sdelay $0x7  }
0x4b: {  	[tilespmem:v1+s12+$0x0] =	vst.idx.add.f32.msk $0xffff, v0  }
0x4c: {  	v1 =	vld [tilespmem:s13+$0x140B0];
	_ =	sdelay $0x7  }
0x4d: {  	[tilespmem:v1+s12+$0x0] =	vst.idx.add.f32.msk $0xffff, v0  }
0x4e: {  	v1 =	vld [tilespmem:s13+$0x140C0];
	_ =	sdelay $0x7  }
0x4f: {  	[tilespmem:v1+s12+$0x0] =	vst.idx.add.f32.msk $0xffff, v0  }
0x50: {  	v1 =	vld [tilespmem:s13+$0x140D0];
	_ =	sdelay $0x7  }
0x51: {  	[tilespmem:v1+s12+$0x0] =	vst.idx.add.f32.msk $0xffff, v0  }
0x52: {  	v1 =	vld [tilespmem:s13+$0x140E0];
	_ =	sdelay $0x7  }
0x53: {  	[tilespmem:v1+s12+$0x0] =	vst.idx.add.f32.msk $0xffff, v0  }
0x54: {  	v1 =	vld [tilespmem:s13+$0x140F0];
	_ =	sdelay $0x2  }
0x55: {  	p0 =	sne.s32 s8, $0x13800  }
.Ltmp2:
0x56: {  	_ = 	snop;
	(pc) =	sbr.rel @p0 .LBB2_5-.Ltmp2, $2  }
0x57: {  	_ =	sdelay $0x2  }
0x58: {  	s8 =	sadd.s32 $0x400, s8;
	[tilespmem:v1+s12+$0x0] =	vst.idx.add.f32.msk $0xffff, v0  }
0x59: {  	s8 =	sadd.s32 $0x9E0, s7;
	s7 =	simm.s32 $0x0;
	s9 =	simm.s32 $0x14000  }
0x5a: {  	[tilespmem:s9], [sflag:$0x1] =	stream.linear.gather [hbm4b:s8+s7], $0x4E00, $0x38;
	[tilespmem:$0x1FB00] =	vst v63  }
0x5b: {  	s8 =	simm.s32 $0x1  }
0x5c: {  	_ =	swait.ge [sflag:s8], $0x4E00  }
0x5d: {  	s10 =	simm.s32 $0x19300;
	[sflag:s8] =	ssyncset.done $0x0  }
0x5e: {  	v0 =	vimm.f32 $1.000000000e+00;
	s11 =	simm.s32 $0x1D300;
	s9 =	simm.s32 $0x80;
	[sflag:s8] =	ssyncadd.s32 $0xFFFFB200  }
.LBB2_7:
0x5f: {  	s12 =	sshra.s32 s7, $0x2  }
0x60: {  	s13 =	sadd.s32 $0x14000, s12  }
0x61: {  	[tilespmem:s10], [sflag:$0x1] =	stream.indirect.gather [hbm4b:s4+s9], $0x80, s13, s9, $0xb8;
	[tilespmem:$0x1FB00] =	vst v63  }
0x62: {  	_ =	swait.ge [sflag:s8], $0x4000  }
0x63: {  	[sflag:s8] =	ssyncset.done $0x0  }
0x64: {  	s31 =	sadd.s32 $0x14080, s12;
	[sflag:s8] =	ssyncadd.s32 $0xFFFFC000  }
0x65: {  	[spmem:s2] =	stream.indirect.scatter.add.f32 [tilespmem:s10], [sflag:$0x1], $0x80, s31, s9, $0xb8;
	[tilespmem:$0x1FB00] =	vst v63  }
0x66: {  	_ =	swait.ge [sflag:s8], $0x4000  }
0x67: {  	[sflag:s8] =	ssyncset.done $0x0  }
0x68: {  	[sflag:s8] =	ssyncadd.s32 $0xFFFFC000  }
0x69: {  	v1 =	vld [tilespmem:s12+$0x14080];
	_ =	sdelay $0x7  }
0x6a: {  	[tilespmem:v1+s11+$0x0] =	vst.idx.add.f32.msk $0xffff, v0  }
0x6b: {  	v1 =	vld [tilespmem:s12+$0x14090];
	_ =	sdelay $0x7  }
0x6c: {  	[tilespmem:v1+s11+$0x0] =	vst.idx.add.f32.msk $0xffff, v0  }
0x6d: {  	v1 =	vld [tilespmem:s12+$0x140A0];
	_ =	sdelay $0x7  }
0x6e: {  	[tilespmem:v1+s11+$0x0] =	vst.idx.add.f32.msk $0xffff, v0  }
0x6f: {  	v1 =	vld [tilespmem:s12+$0x140B0];
	_ =	sdelay $0x7  }
0x70: {  	[tilespmem:v1+s11+$0x0] =	vst.idx.add.f32.msk $0xffff, v0  }
0x71: {  	v1 =	vld [tilespmem:s12+$0x140C0];
	_ =	sdelay $0x7  }
0x72: {  	[tilespmem:v1+s11+$0x0] =	vst.idx.add.f32.msk $0xffff, v0  }
0x73: {  	v1 =	vld [tilespmem:s12+$0x140D0];
	_ =	sdelay $0x7  }
0x74: {  	[tilespmem:v1+s11+$0x0] =	vst.idx.add.f32.msk $0xffff, v0  }
0x75: {  	v1 =	vld [tilespmem:s12+$0x140E0];
	_ =	sdelay $0x7  }
0x76: {  	[tilespmem:v1+s11+$0x0] =	vst.idx.add.f32.msk $0xffff, v0  }
0x77: {  	v1 =	vld [tilespmem:s12+$0x140F0];
	_ =	sdelay $0x2  }
0x78: {  	p0 =	sne.s32 s7, $0x13400  }
.Ltmp3:
0x79: {  	_ = 	snop;
	(pc) =	sbr.rel @p0 .LBB2_7-.Ltmp3, $2  }
0x7a: {  	_ =	sdelay $0x2  }
0x7b: {  	s7 =	sadd.s32 $0x400, s7;
	[tilespmem:v1+s11+$0x0] =	vst.idx.add.f32.msk $0xffff, v0  }
0x7c: {  	s4 =	sshrl.u32 s1, $0x3  }
0x7d: {  	s4 =	smul.u32 $0x14000, s4  }
0x7e: {  	s6 =	sand.u32 $0x380, s6  }
0x7f: {  	[bflag:$0x0] =	sbarrier.arrive $0xFFFF;
	s4 =	sor.u32 s6, s4  }
0x80: {  	s17 =	simm.s32 $0x80;
	s18 =	simm.s32 $0x400;
	s4 =	sshrl.u32 s4, $0x3  }
0x81: {  	s7 =	simm.s32 $0x1D300;
	s19 =	simm.s32 $0x1;
	s4 =	sadd.s32 s5, s4  }
0x82: {  	[hbm4b:s4+s17] =	stream.strided.scatter [tilespmem:s7], [sflag:$0x1], $0x2800, s18, s17, $0x38;
	[tilespmem:$0x1FB00] =	vst v63  }
0x83: {  	_ =	swait.ge [sflag:s19], $0x2800  }
0x84: {  	[sflag:s19] =	ssyncset.done $0x0  }
0x85: {  	s20 =	simm.s32 $0x18F00;
	s21 =	simm.s32 $0x19300;
	[sflag:s19] =	ssyncadd.s32 $0xFFFFD800  }
0x86: {  	[tilespmem:s21], [sflag:$0x1] =	stream.indirect.gather [spmem:s2], $0x80, s20, s17, $0xb8;
	[tilespmem:$0x1FB00] =	vst v63  }
0x87: {  	s22 =	smul.u32 $0x2800, s1;
	_ =	swait.ge [sflag:s19], $0x4000  }
0x88: {  	[sflag:s19] =	ssyncset.done $0x0  }
0x89: {  	s8 =	simm.s32 $0x0;
	s6 =	sadd.s32 s3, s22;
	[sflag:s19] =	ssyncadd.s32 $0xFFFFC000  }
0x8a: {  	[hbm4b:s6+s8] =	stream.linear.scatter [tilespmem:s21], [sflag:$0x1], $0x4000, $0x38;
	[tilespmem:$0x1FB00] =	vst v63  }
0x8b: {  	_ =	swait.ge [sflag:s19], $0x4000  }
0x8c: {  	[sflag:s19] =	ssyncset.done $0x0  }
0x8d: {  	s23 =	smul.u32 $0x14000, s1;
	s9 =	simm.s32 $0x18F80;
	[sflag:s19] =	ssyncadd.s32 $0xFFFFC000  }
0x8e: {  	[tilespmem:s21], [sflag:$0x1] =	stream.indirect.gather [spmem:s2], $0x80, s9, s17, $0xb8;
	[tilespmem:$0x1FB00] =	vst v63  }
0x8f: {  	s6 =	sshrl.u32 s23, $0x3;
	_ =	swait.ge [sflag:s19], $0x4000  }
0x90: {  	s24 =	sadd.s32 s3, s6;
	[sflag:s19] =	ssyncset.done $0x0  }
0x91: {  	s6 =	sadd.s32 $0x800, s24;
	[sflag:s19] =	ssyncadd.s32 $0xFFFFC000  }
0x92: {  	[hbm4b:s6+s8] =	stream.linear.scatter [tilespmem:s21], [sflag:$0x1], $0x4000, $0x38;
	[tilespmem:$0x1FB00] =	vst v63  }
0x93: {  	_ =	swait.ge [sflag:s19], $0x4000  }
0x94: {  	[sflag:s19] =	ssyncset.done $0x0  }
0x95: {  	s25 =	simm.s32 $0x19000;
	[sflag:s19] =	ssyncadd.s32 $0xFFFFC000  }
0x96: {  	[tilespmem:s21], [sflag:$0x1] =	stream.indirect.gather [spmem:s2], $0x80, s25, s17, $0xb8;
	[tilespmem:$0x1FB00] =	vst v63  }
0x97: {  	_ =	swait.ge [sflag:s19], $0x4000  }
0x98: {  	[sflag:s19] =	ssyncset.done $0x0  }
0x99: {  	s26 =	sadd.s32 $0x1000, s24;
	[sflag:s19] =	ssyncadd.s32 $0xFFFFC000  }
0x9a: {  	[hbm4b:s26+s8] =	stream.linear.scatter [tilespmem:s21], [sflag:$0x1], $0x4000, $0x38;
	[tilespmem:$0x1FB00] =	vst v63  }
0x9b: {  	_ =	swait.ge [sflag:s19], $0x4000  }
0x9c: {  	[sflag:s19] =	ssyncset.done $0x0  }
0x9d: {  	s28 =	simm.s32 $0x19080;
	[sflag:s19] =	ssyncadd.s32 $0xFFFFC000  }
0x9e: {  	[tilespmem:s21], [sflag:$0x1] =	stream.indirect.gather [spmem:s2], $0x80, s28, s17, $0xb8;
	[tilespmem:$0x1FB00] =	vst v63  }
0x9f: {  	_ =	swait.ge [sflag:s19], $0x4000  }
0xa0: {  	[sflag:s19] =	ssyncset.done $0x0  }
0xa1: {  	s29 =	sadd.s32 $0x1800, s24;
	[sflag:s19] =	ssyncadd.s32 $0xFFFFC000  }
0xa2: {  	[hbm4b:s29+s8] =	stream.linear.scatter [tilespmem:s21], [sflag:$0x1], $0x4000, $0x38;
	[tilespmem:$0x1FB00] =	vst v63  }
0xa3: {  	_ =	swait.ge [sflag:s19], $0x4000  }
0xa4: {  	[sflag:s19] =	ssyncset.done $0x0  }
0xa5: {  	s30 =	simm.s32 $0x19100;
	[sflag:s19] =	ssyncadd.s32 $0xFFFFC000  }
0xa6: {  	[tilespmem:s21], [sflag:$0x1] =	stream.indirect.gather [spmem:s2], $0x80, s30, s17, $0xb8;
	[tilespmem:$0x1FB00] =	vst v63  }
0xa7: {  	_ =	swait.ge [sflag:s19], $0x4000  }
0xa8: {  	[sflag:s19] =	ssyncset.done $0x0  }
0xa9: {  	s31 =	sadd.s32 $0x2000, s24;
	[sflag:s19] =	ssyncadd.s32 $0xFFFFC000  }
0xaa: {  	[hbm4b:s31+s8] =	stream.linear.scatter [tilespmem:s21], [sflag:$0x1], $0x4000, $0x38;
	[tilespmem:$0x1FB00] =	vst v63  }
0xab: {  	_ =	swait.ge [sflag:s19], $0x4000  }
0xac: {  	[sflag:s19] =	ssyncset.done $0x0  }
0xad: {  	[sflag:s19] =	ssyncadd.s32 $0xFFFFC000  }
0xae: {  	_ =	sfence.sel $0x180000  }
0xaf: {  	[bflag:$0x0] =	sbarrier.arrive $0xFFFF  }
0xb0: {  	p0 =	sne.s32 s1, $0x0;
	_ =	strace $0x90000047  }
0xb1: {  	s0 =	sadd.s32 @!p0 $0x100000, s0;
	[bflag:$0x2] =	sbarrier.arrive $0xFFFF  }
0xb2: {  	[sflag:s0] =	ssyncadd.tile.s32 @!p0 $0x1;
	_ =	shalt  }
.Lfunc_end2:
_tile_overlayer_lowered:
.L_overlay_start_2:
0xb3: {  	(tag) =	ssettag $0x2  }
0xb4: {  	s0 =	rddreg [dreg:$0x0];
	s2 =	stileid.u32  }
0xb5: {  	s1 =	rddreg [dreg:$0x1];
	p0 =	sne.s32 s2, $0x0  }
0xb6: {  	s3 =	rddreg [dreg:$0x2];
	[bflag:$0x3] =	sbarrier.arrive $0xFFFF;
	s2 =	simm.s32 @!p0 $0x1C01  }
0xb7: {  	[timem:s3], [sflag:s2] =	dma.local @!p0 [hbm:s0], s1  }
0xb8: {  	s0 =	simm.s32 @!p0 $0x1  }
0xb9: {  	_ =	swait.ge @!p0 [sflag:s0], s1  }
0xba: {  	s1 =	ssub.s32 @!p0 $0x0, s1;
	[sflag:s0] =	ssyncset.done @!p0 $0x0  }
0xbb: {  	[sflag:s0] =	ssyncadd.s32 @!p0 s1  }
0xbc: {  	[bflag:$0x3] =	sbarrier.arrive $0xFFFF  }
0xbd: {  	_ =	shalt  }

</sc_bundles>
